<compile_context>
chip_gen: v7x
topology: tpu7x:2x2x1
jax: 0.10.2.dev20260603
libtpu: 0.0.44.dev20260713+nightly
codegen_flags: <defaults>
</compile_context>

<pallas_src>
import functools

import jax
import jax.numpy as jnp
from jax import lax
from jax.experimental import pallas as pl
from jax.experimental.pallas import tpu as pltpu
from jax.experimental.pallas import tpu_sc as plsc

N = 10000
E = 320000
H = 128

NC = 2
NS = 16
NW = NC * NS
EK = 80
EC = 128
EPT = EK * EC
EPAD = NW * EPT
DEEP = 2

DK = 80
DC = EPT // DK

NPAD = 10112
STRIPE = NPAD // NS

RB = 400
GRID = N // RB

_BN_S = 0.9999950000374997

_mesh = plsc.VectorSubcoreMesh(core_axis_name="c", subcore_axis_name="s")



@functools.partial(
    pl.kernel,
    out_type=jax.ShapeDtypeStruct((NC, NPAD, H), jnp.float32),
    mesh=_mesh,
    scratch_types=[
        pltpu.VMEM((DC, DK), jnp.int32),
        pltpu.VMEM((DK, H), jnp.float32),
        pltpu.VMEM_SHARED((NPAD, H), jnp.float32),
    ],
)
def _deg_kernel(dstr_hbm, zbig_hbm, e0_hbm, out_hbm, dst_v, ones_v, hist_sh):
    c = lax.axis_index("c")
    s = lax.axis_index("s")
    wid = c * NS + s
    pltpu.sync_copy(dstr_hbm.at[wid], dst_v)
    pltpu.sync_copy(e0_hbm, ones_v)
    pltpu.sync_copy(zbig_hbm.at[pl.ds(s * STRIPE, STRIPE)],
                    hist_sh.at[pl.ds(s * STRIPE, STRIPE)])
    plsc.subcore_barrier()

    @pl.loop(0, DC)
    def _(j):
        pltpu.sync_copy(ones_v, hist_sh.at[dst_v.at[j]], add=True)

    plsc.subcore_barrier()
    pltpu.sync_copy(hist_sh.at[pl.ds(s * STRIPE, STRIPE)],
                    out_hbm.at[c, pl.ds(s * STRIPE, STRIPE)])


@functools.partial(
    pl.kernel,
    out_type=jax.ShapeDtypeStruct((NC, NPAD, H), jnp.float32),
    mesh=_mesh,
    scratch_types=[
        pltpu.VMEM((EPT,), jnp.int32),
        pltpu.VMEM((EC, EK), jnp.int32),
        pltpu.VMEM((EK, H), jnp.float32),
        pltpu.VMEM((EK, H), jnp.float32),
        pltpu.VMEM_SHARED((NPAD, H), jnp.float32),
        pltpu.SemaphoreType.DMA,
        pltpu.SemaphoreType.DMA,
    ],
)
def _edge_kernel(y_hbm, srcf_hbm, dstf_hbm, zbig_hbm, out_hbm,
                 src_v, dst_v, b0, b1, acc_sh, s0, s1):
    c = lax.axis_index("c")
    s = lax.axis_index("s")
    wid = c * NS + s
    pltpu.sync_copy(srcf_hbm.at[wid], src_v)
    pltpu.sync_copy(dstf_hbm.at[wid], dst_v)
    pltpu.sync_copy(zbig_hbm.at[pl.ds(s * STRIPE, STRIPE)],
                    acc_sh.at[pl.ds(s * STRIPE, STRIPE)])
    plsc.subcore_barrier()

    bufs = (b0, b1)
    sems = (s0, s1)

    def _src(j):
        return src_v.at[pl.ds(j * EK, EK)]

    def _dst(j):
        return dst_v.at[j]

    for d in range(DEEP):
        pltpu.make_async_copy(y_hbm.at[_src(d)], bufs[d], sems[d]).start()

    @pl.loop(0, EC // DEEP)
    def _(jj):
        base = jj * DEEP
        for d in range(DEEP):
            j = base + d
            pltpu.make_async_copy(y_hbm.at[_src(j)], bufs[d], sems[d]).wait()
            pltpu.sync_copy(bufs[d], acc_sh.at[_dst(j)], add=True)

            @pl.when(j + DEEP < EC)
            def _():
                pltpu.make_async_copy(y_hbm.at[_src(j + DEEP)], bufs[d],
                                      sems[d]).start()

    plsc.subcore_barrier()
    pltpu.sync_copy(acc_sh.at[pl.ds(s * STRIPE, STRIPE)],
                    out_hbm.at[c, pl.ds(s * STRIPE, STRIPE)])



def _mlp_body(x_ref, w0_ref, b0_ref, g0_ref, be0_ref,
              w1_ref, b1_ref, g1_ref, be1_ref, wg0_ref, degp_ref,
              xw0_ref, y0_ref, dinvb_ref):
    h = jnp.dot(x_ref[...], w0_ref[...], preferred_element_type=jnp.float32)
    h = jnp.maximum(h + b0_ref[...], 0.0) * g0_ref[...] + be0_ref[...]
    h = jnp.dot(h, w1_ref[...], preferred_element_type=jnp.float32)
    h = jnp.maximum(h + b1_ref[...], 0.0) * g1_ref[...] + be1_ref[...]
    xw0 = jnp.dot(h, wg0_ref[...], preferred_element_type=jnp.float32)
    cnt = degp_ref[0, :, 0:1] + degp_ref[1, :, 0:1]
    dinv = lax.rsqrt(cnt + 1.0)
    dinvb = jnp.broadcast_to(dinv, (RB, H))
    xw0_ref[...] = xw0
    y0_ref[...] = xw0 * dinvb
    dinvb_ref[...] = dinvb


def _mid_body(p_ref, xw_ref, dinvb_ref, wg1_ref, bg_ref, gg_ref, beg_ref,
              xw1_ref, y1_ref):
    dinvb = dinvb_ref[...]
    t = (p_ref[0] + p_ref[1]) * dinvb + xw_ref[...] * dinvb * dinvb + bg_ref[...]
    out0 = jnp.maximum(t, 0.0) * gg_ref[...] + beg_ref[...]
    xw1 = jnp.dot(out0, wg1_ref[...], preferred_element_type=jnp.float32)
    xw1_ref[...] = xw1
    y1_ref[...] = xw1 * dinvb


def _fin_body(q_ref, xw_ref, dinvb_ref, bg_ref, gg_ref, beg_ref, o_ref):
    dinvb = dinvb_ref[...]
    t = (q_ref[0] + q_ref[1]) * dinvb + xw_ref[...] * dinvb * dinvb + bg_ref[...]
    o_ref[...] = jnp.maximum(t, 0.0) * gg_ref[...] + beg_ref[...]


_row_spec = pl.BlockSpec((RB, H), lambda i: (i, 0))
_w_spec = pl.BlockSpec((H, H), lambda i: (0, 0))
_v_spec = pl.BlockSpec((1, H), lambda i: (0, 0))
_acc_spec = pl.BlockSpec((NC, RB, H), lambda i: (0, i, 0))

_mlp_call = pl.pallas_call(
    _mlp_body,
    grid=(GRID,),
    in_specs=[_row_spec, _w_spec, _v_spec, _v_spec, _v_spec,
              _w_spec, _v_spec, _v_spec, _v_spec, _w_spec, _acc_spec],
    out_specs=[_row_spec, _row_spec, _row_spec],
    out_shape=[jax.ShapeDtypeStruct((N, H), jnp.float32)] * 3,
)

_mid_call = pl.pallas_call(
    _mid_body,
    grid=(GRID,),
    in_specs=[_acc_spec, _row_spec, _row_spec, _w_spec,
              _v_spec, _v_spec, _v_spec],
    out_specs=[_row_spec, _row_spec],
    out_shape=[jax.ShapeDtypeStruct((N, H), jnp.float32)] * 2,
)

_fin_call = pl.pallas_call(
    _fin_body,
    grid=(GRID,),
    in_specs=[_acc_spec, _row_spec, _row_spec, _v_spec, _v_spec, _v_spec],
    out_specs=_row_spec,
    out_shape=jax.ShapeDtypeStruct((N, H), jnp.float32),
)


def kernel(x, edge_index, w_mlp0, b_mlp0, gamma_mlp0, beta_mlp0,
           w_mlp1, b_mlp1, gamma_mlp1, beta_mlp1,
           w_gcn0, b_gcn0, gamma_gcn0, beta_gcn0,
           w_gcn1, b_gcn1, gamma_gcn1, beta_gcn1):
    src = edge_index[0]
    dst = edge_index[1]
    pad = EPAD - E
    srcf = jnp.concatenate(
        [src, jnp.zeros((pad,), jnp.int32)]).reshape(NW, EPT)
    dstp = jnp.concatenate([dst, jnp.full((pad,), N, jnp.int32)])
    dstf = dstp.reshape(NW, EC, EK)
    dstr = dstp.reshape(NW, DC, DK)
    zbig = jnp.zeros((NPAD, H), jnp.float32)
    e0rows = jnp.tile(
        (jnp.arange(H) == 0).astype(jnp.float32)[None, :], (DK, 1))

    degp = _deg_kernel(dstr, zbig, e0rows)

    row = lambda v: v.reshape(1, H)
    xw0, y0, dinvb = _mlp_call(
        x, w_mlp0, row(b_mlp0), row(gamma_mlp0 * _BN_S), row(beta_mlp0),
        w_mlp1, row(b_mlp1), row(gamma_mlp1 * _BN_S), row(beta_mlp1),
        w_gcn0, degp)

    p = _edge_kernel(y0, srcf, dstf, zbig)
    xw1, y1 = _mid_call(p, xw0, dinvb, w_gcn1,
                        row(b_gcn0), row(gamma_gcn0 * _BN_S), row(beta_gcn0))

    q = _edge_kernel(y1, srcf, dstf, zbig)
    out = _fin_call(q, xw1, dinvb,
                    row(b_gcn1), row(gamma_gcn1 * _BN_S), row(beta_gcn1))
    return out

# --- scband reference (transcript-rebuilt; emitter-appended) ---
"""Pipeline reference for scband-inter-correlation-block-44178033607255 (READ-ONLY COPY).

The authoritative reference and input builder live on the scoring server;
editing this copy changes nothing except your own understanding.
"""

import jax, jax.numpy as jnp
import numpy as np

N = 10000
E = 320000
D_IN = 128
H = 128

def _init_w(key, shape):
    fan_in = shape[0]
    return jax.random.normal(key, shape, dtype=jnp.float32) / np.sqrt(fan_in)

def setup_inputs(seed: int = 0) -> dict:
    key = jax.random.key(seed)
    ks = jax.random.split(key, 8)
    inp = {}
    inp['x'] = jax.random.normal(ks[0], (N, D_IN), dtype=jnp.float32)
    inp['edge_index'] = jax.random.randint(ks[1], (2, E), 0, N, dtype=jnp.int32)
    inp['w_mlp0'] = _init_w(ks[2], (D_IN, H))
    inp['b_mlp0'] = jnp.zeros((H,), jnp.float32)
    inp['gamma_mlp0'] = jnp.ones((H,), jnp.float32)
    inp['beta_mlp0'] = jnp.zeros((H,), jnp.float32)
    inp['w_mlp1'] = _init_w(ks[3], (H, H))
    inp['b_mlp1'] = jnp.zeros((H,), jnp.float32)
    inp['gamma_mlp1'] = jnp.ones((H,), jnp.float32)
    inp['beta_mlp1'] = jnp.zeros((H,), jnp.float32)
    inp['w_gcn0'] = _init_w(ks[4], (H, H))
    inp['b_gcn0'] = jnp.zeros((H,), jnp.float32)
    inp['gamma_gcn0'] = jnp.ones((H,), jnp.float32)
    inp['beta_gcn0'] = jnp.zeros((H,), jnp.float32)
    inp['w_gcn1'] = _init_w(ks[5], (H, H))
    inp['b_gcn1'] = jnp.zeros((H,), jnp.float32)
    inp['gamma_gcn1'] = jnp.ones((H,), jnp.float32)
    inp['beta_gcn1'] = jnp.zeros((H,), jnp.float32)
    return inp

def _bn_eval(x, gamma, beta):
    # eval-mode BatchNorm1d with default running stats (mean=0, var=1), eps=1e-5
    return x / jnp.sqrt(1.0 + 1e-5) * gamma + beta

def _gcn_conv(x, src, dst, w, b):
    # PyG GCNConv: add self-loops, symmetric normalization D^-1/2 (A+I) D^-1/2, then X W + b
    xw = x @ w
    loop = jnp.arange(N, dtype=src.dtype)
    s = jnp.concatenate([src, loop])
    d = jnp.concatenate([dst, loop])
    deg = jnp.zeros((N,), jnp.float32).at[d].add(1.0)
    dinv = jnp.where(deg > 0, 1.0 / jnp.sqrt(deg), 0.0)
    norm = dinv[s] * dinv[d]
    msg = xw[s] * norm[:, None]
    out = jnp.zeros((N, H), jnp.float32).at[d].add(msg)
    return out + b

def reference(x, edge_index, w_mlp0, b_mlp0, gamma_mlp0, beta_mlp0, w_mlp1, b_mlp1, gamma_mlp1, beta_mlp1, w_gcn0, b_gcn0, gamma_gcn0, beta_gcn0, w_gcn1, b_gcn1, gamma_gcn1, beta_gcn1):
    src, dst = edge_index[0], edge_index[1]
    # MLP stack: Linear -> ReLU -> BN (x2); dropout is identity in eval mode
    h = jax.nn.relu(x @ w_mlp0 + b_mlp0)
    h = _bn_eval(h, gamma_mlp0, beta_mlp0)
    h = jax.nn.relu(h @ w_mlp1 + b_mlp1)
    h = _bn_eval(h, gamma_mlp1, beta_mlp1)
    # Inter correlation stack: GCNConv -> ReLU -> BN (x2)
    h = _gcn_conv(h, src, dst, w_gcn0, b_gcn0)
    h = jax.nn.relu(h)
    h = _bn_eval(h, gamma_gcn0, beta_gcn0)
    h = _gcn_conv(h, src, dst, w_gcn1, b_gcn1)
    h = jax.nn.relu(h)
    h = _bn_eval(h, gamma_gcn1, beta_gcn1)
    return h

if __name__ == "__main__":
    import jax
    _d = setup_inputs()
    print(jax.jit(kernel)(*tuple(_d.values())))

</pallas_src>

<mosaic_0001>
#map = affine_map<(d0, d1) -> (0, 0, 0)>
#map1 = affine_map<(d0, d1) -> (0, 0)>
module attributes {stable_mosaic.version = 14 : i64} {
  func.func @_deg_kernel(%arg0: i32, %arg1: i32, %arg2: memref<32x128x80xi32, #tpu.memory_space<hbm>>, %arg3: memref<10112x128xf32, #tpu.memory_space<hbm>>, %arg4: memref<80x128xf32, #tpu.memory_space<hbm>>, %arg5: memref<2x10112x128xf32, #tpu.memory_space<hbm>>, %arg6: memref<128x80xi32, #tpu.memory_space<vmem>>, %arg7: memref<80x128xf32, #tpu.memory_space<vmem>>, %arg8: memref<10112x128xf32, #tpu.memory_space<vmem_shared>>) attributes {dimension_semantics = [#tpu.dimension_semantics<core_parallel>, #tpu.dimension_semantics<subcore_parallel>], iteration_bounds = array<i64: 2, 16>, scalar_prefetch = 0 : i64, scratch_operands = 3 : i64, tpu.core_type = #tpu.core_type<sc_vector_subcore>, window_params = [{transform_indices = #map}, {transform_indices = #map1}, {transform_indices = #map1}, {transform_indices = #map}]} {
    %mul3A = arith.constant 16 : i32
    %mul3A_0 = arith.muli %arg0, %mul3A : i32
    %add3A = arith.addi %mul3A_0, %arg1 : i32
    "tpu.region"() ({
      %run_scoped3A = tpu.sem_alloc : memref<!tpu.dma_semaphore, #tpu.memory_space<semaphore_mem>>
      %dma_start3A = arith.constant 0 : i32
      %dma_start3A_14 = arith.constant 0 : i32
      %dma_start3A_15 = tpu.memref_slice %arg2[%add3A, %dma_start3A, %dma_start3A_14] : memref<32x128x80xi32, #tpu.memory_space<hbm>> -> memref<1x128x80xi32, #tpu.memory_space<hbm>>
      %dma_start3A_16 = tpu.memref_squeeze %dma_start3A_15 : memref<1x128x80xi32, #tpu.memory_space<hbm>> -> memref<128x80xi32, #tpu.memory_space<hbm>>
      %dma_start3A_17 = arith.constant 0 : i32
      %dma_start3A_18 = arith.constant 0 : i32
      %dma_start3A_19 = tpu.memref_slice %arg2[%add3A, %dma_start3A_17, %dma_start3A_18] : memref<32x128x80xi32, #tpu.memory_space<hbm>> -> memref<1x128x80xi32, #tpu.memory_space<hbm>>
      %dma_start3A_20 = tpu.memref_squeeze %dma_start3A_19 : memref<1x128x80xi32, #tpu.memory_space<hbm>> -> memref<128x80xi32, #tpu.memory_space<hbm>>
      tpu.enqueue_dma source(%dma_start3A_20 : memref<128x80xi32, #tpu.memory_space<hbm>>) target(%arg6 : memref<128x80xi32, #tpu.memory_space<vmem>>) target_semaphore(%run_scoped3A : memref<!tpu.dma_semaphore, #tpu.memory_space<semaphore_mem>>)
      %dma_wait3A = arith.constant 0 : i32
      %dma_wait3A_21 = arith.constant 0 : i32
      %dma_wait3A_22 = tpu.memref_slice %arg2[%add3A, %dma_wait3A, %dma_wait3A_21] : memref<32x128x80xi32, #tpu.memory_space<hbm>> -> memref<1x128x80xi32, #tpu.memory_space<hbm>>
      %dma_wait3A_23 = tpu.memref_squeeze %dma_wait3A_22 : memref<1x128x80xi32, #tpu.memory_space<hbm>> -> memref<128x80xi32, #tpu.memory_space<hbm>>
      %dma_wait3A_24 = arith.constant 0 : i32
      %dma_wait3A_25 = arith.constant 0 : i32
      %dma_wait3A_26 = tpu.memref_slice %arg2[%add3A, %dma_wait3A_24, %dma_wait3A_25] : memref<32x128x80xi32, #tpu.memory_space<hbm>> -> memref<1x128x80xi32, #tpu.memory_space<hbm>>
      %dma_wait3A_27 = tpu.memref_squeeze %dma_wait3A_26 : memref<1x128x80xi32, #tpu.memory_space<hbm>> -> memref<128x80xi32, #tpu.memory_space<hbm>>
      tpu.wait_dma2 semaphore(%run_scoped3A : memref<!tpu.dma_semaphore, #tpu.memory_space<semaphore_mem>>) src(%dma_wait3A_27 : memref<128x80xi32, #tpu.memory_space<hbm>>) dst(%arg6 : memref<128x80xi32, #tpu.memory_space<vmem>>)
      tpu.yield
    }) : () -> ()
    "tpu.region"() ({
      %run_scoped3A = tpu.sem_alloc : memref<!tpu.dma_semaphore, #tpu.memory_space<semaphore_mem>>
      tpu.enqueue_dma source(%arg4 : memref<80x128xf32, #tpu.memory_space<hbm>>) target(%arg7 : memref<80x128xf32, #tpu.memory_space<vmem>>) target_semaphore(%run_scoped3A : memref<!tpu.dma_semaphore, #tpu.memory_space<semaphore_mem>>)
      tpu.wait_dma2 semaphore(%run_scoped3A : memref<!tpu.dma_semaphore, #tpu.memory_space<semaphore_mem>>) src(%arg4 : memref<80x128xf32, #tpu.memory_space<hbm>>) dst(%arg7 : memref<80x128xf32, #tpu.memory_space<vmem>>)
      tpu.yield
    }) : () -> ()
    %mul3A_1 = arith.constant 632 : i32
    %mul3A_2 = arith.muli %arg1, %mul3A_1 : i32
    %mul3A_3 = arith.constant 632 : i32
    %mul3A_4 = arith.muli %arg1, %mul3A_3 : i32
    "tpu.region"() ({
      %run_scoped3A = tpu.sem_alloc : memref<!tpu.dma_semaphore, #tpu.memory_space<semaphore_mem>>
      %dma_start3A = arith.constant 0 : i32
      %dma_start3A_14 = tpu.memref_slice %arg8[%mul3A_4, %dma_start3A] : memref<10112x128xf32, #tpu.memory_space<vmem_shared>> -> memref<632x128xf32, #tpu.memory_space<vmem_shared>>
      %dma_start3A_15 = arith.constant 0 : i32
      %dma_start3A_16 = tpu.memref_slice %arg3[%mul3A_2, %dma_start3A_15] : memref<10112x128xf32, #tpu.memory_space<hbm>> -> memref<632x128xf32, #tpu.memory_space<hbm>>
      tpu.enqueue_dma source(%dma_start3A_16 : memref<632x128xf32, #tpu.memory_space<hbm>>) target(%dma_start3A_14 : memref<632x128xf32, #tpu.memory_space<vmem_shared>>) target_semaphore(%run_scoped3A : memref<!tpu.dma_semaphore, #tpu.memory_space<semaphore_mem>>)
      %dma_wait3A = arith.constant 0 : i32
      %dma_wait3A_17 = tpu.memref_slice %arg8[%mul3A_4, %dma_wait3A] : memref<10112x128xf32, #tpu.memory_space<vmem_shared>> -> memref<632x128xf32, #tpu.memory_space<vmem_shared>>
      %dma_wait3A_18 = arith.constant 0 : i32
      %dma_wait3A_19 = tpu.memref_slice %arg3[%mul3A_2, %dma_wait3A_18] : memref<10112x128xf32, #tpu.memory_space<hbm>> -> memref<632x128xf32, #tpu.memory_space<hbm>>
      tpu.wait_dma2 semaphore(%run_scoped3A : memref<!tpu.dma_semaphore, #tpu.memory_space<semaphore_mem>>) src(%dma_wait3A_19 : memref<632x128xf32, #tpu.memory_space<hbm>>) dst(%dma_wait3A_17 : memref<632x128xf32, #tpu.memory_space<vmem_shared>>)
      tpu.yield
    }) : () -> ()
    %barrier3A = arith.constant 0 : index
    tpu.barrier barrier_id(%barrier3A)
    %scan3A = arith.constant 0 : i32
    %scan3A_5 = arith.constant 128 : i32
    %scan3A_6 = arith.addi %scan3A, %scan3A_5 : i32
    %scan3A_7 = arith.constant 1 : i32
    scf.for %scan3A_14 = %scan3A to %scan3A_6 step %scan3A_7  : i32 {
      %mul3A_15 = arith.constant 1 : i32
      %mul3A_16 = arith.muli %scan3A_14, %mul3A_15 : i32
      %add3A_17 = arith.constant 0 : i32
      %add3A_18 = arith.addi %add3A_17, %mul3A_16 : i32
      "tpu.region"() ({
        %run_scoped3A = tpu.sem_alloc : memref<!tpu.dma_semaphore, #tpu.memory_space<semaphore_mem>>
        %dma_start3A = arith.constant 0 : i32
        %dma_start3A_19 = tpu.memref_slice %arg6[%add3A_18, %dma_start3A] : memref<128x80xi32, #tpu.memory_space<vmem>> -> memref<1x80xi32, #tpu.memory_space<vmem>>
        %dma_start3A_20 = tpu.memref_squeeze %dma_start3A_19 : memref<1x80xi32, #tpu.memory_space<vmem>> -> memref<80xi32, #tpu.memory_space<vmem>>
        %dma_start3A_21 = arith.constant 0 : i32
        %dma_start3A_22 = arith.constant 0 : i32
        %dma_start3A_23 = tpu.memref_slice %arg8[%dma_start3A_21, %dma_start3A_22] : memref<10112x128xf32, #tpu.memory_space<vmem_shared>> -> memref<10112x128xf32, #tpu.memory_space<vmem_shared>>
        tpu.enqueue_indirect_dma source(%arg7 : memref<80x128xf32, #tpu.memory_space<vmem>>) target(%dma_start3A_23 : memref<10112x128xf32, #tpu.memory_space<vmem_shared>>) offsets(%dma_start3A_20 : memref<80xi32, #tpu.memory_space<vmem>>) semaphore(%run_scoped3A : memref<!tpu.dma_semaphore, #tpu.memory_space<semaphore_mem>>) {add = true}
        %dma_wait3A = arith.constant 0 : i32
        %dma_wait3A_24 = tpu.memref_slice %arg6[%add3A_18, %dma_wait3A] : memref<128x80xi32, #tpu.memory_space<vmem>> -> memref<1x80xi32, #tpu.memory_space<vmem>>
        %dma_wait3A_25 = tpu.memref_squeeze %dma_wait3A_24 : memref<1x80xi32, #tpu.memory_space<vmem>> -> memref<80xi32, #tpu.memory_space<vmem>>
        %dma_wait3A_26 = arith.constant 0 : i32
        %dma_wait3A_27 = arith.constant 0 : i32
        %dma_wait3A_28 = tpu.memref_slice %arg8[%dma_wait3A_26, %dma_wait3A_27] : memref<10112x128xf32, #tpu.memory_space<vmem_shared>> -> memref<10112x128xf32, #tpu.memory_space<vmem_shared>>
        tpu.wait_indirect_dma semaphore(%run_scoped3A : memref<!tpu.dma_semaphore, #tpu.memory_space<semaphore_mem>>) src(%arg7 : memref<80x128xf32, #tpu.memory_space<vmem>>) dst(%dma_wait3A_28 : memref<10112x128xf32, #tpu.memory_space<vmem_shared>>)
        tpu.yield
      }) : () -> ()
    }
    %scan3A_8 = arith.constant 128 : i32
    %barrier3A_9 = arith.constant 0 : index
    tpu.barrier barrier_id(%barrier3A_9)
    %mul3A_10 = arith.constant 632 : i32
    %mul3A_11 = arith.muli %arg1, %mul3A_10 : i32
    %mul3A_12 = arith.constant 632 : i32
    %mul3A_13 = arith.muli %arg1, %mul3A_12 : i32
    "tpu.region"() ({
      %run_scoped3A = tpu.sem_alloc : memref<!tpu.dma_semaphore, #tpu.memory_space<semaphore_mem>>
      %dma_start3A = arith.constant 0 : i32
      %dma_start3A_14 = tpu.memref_slice %arg5[%arg0, %mul3A_13, %dma_start3A] : memref<2x10112x128xf32, #tpu.memory_space<hbm>> -> memref<1x632x128xf32, #tpu.memory_space<hbm>>
      %dma_start3A_15 = tpu.memref_squeeze %dma_start3A_14 : memref<1x632x128xf32, #tpu.memory_space<hbm>> -> memref<632x128xf32, #tpu.memory_space<hbm>>
      %dma_start3A_16 = arith.constant 0 : i32
      %dma_start3A_17 = tpu.memref_slice %arg8[%mul3A_11, %dma_start3A_16] : memref<10112x128xf32, #tpu.memory_space<vmem_shared>> -> memref<632x128xf32, #tpu.memory_space<vmem_shared>>
      tpu.enqueue_dma source(%dma_start3A_17 : memref<632x128xf32, #tpu.memory_space<vmem_shared>>) target(%dma_start3A_15 : memref<632x128xf32, #tpu.memory_space<hbm>>) target_semaphore(%run_scoped3A : memref<!tpu.dma_semaphore, #tpu.memory_space<semaphore_mem>>)
      %dma_wait3A = arith.constant 0 : i32
      %dma_wait3A_18 = tpu.memref_slice %arg5[%arg0, %mul3A_13, %dma_wait3A] : memref<2x10112x128xf32, #tpu.memory_space<hbm>> -> memref<1x632x128xf32, #tpu.memory_space<hbm>>
      %dma_wait3A_19 = tpu.memref_squeeze %dma_wait3A_18 : memref<1x632x128xf32, #tpu.memory_space<hbm>> -> memref<632x128xf32, #tpu.memory_space<hbm>>
      %dma_wait3A_20 = arith.constant 0 : i32
      %dma_wait3A_21 = tpu.memref_slice %arg8[%mul3A_11, %dma_wait3A_20] : memref<10112x128xf32, #tpu.memory_space<vmem_shared>> -> memref<632x128xf32, #tpu.memory_space<vmem_shared>>
      tpu.wait_dma2 semaphore(%run_scoped3A : memref<!tpu.dma_semaphore, #tpu.memory_space<semaphore_mem>>) src(%dma_wait3A_21 : memref<632x128xf32, #tpu.memory_space<vmem_shared>>) dst(%dma_wait3A_19 : memref<632x128xf32, #tpu.memory_space<hbm>>)
      tpu.yield
    }) : () -> ()
    return
  }
}

#map = affine_map<(d0, d1) -> (0, 0)>
#map1 = affine_map<(d0, d1) -> (0, 0, 0)>
module attributes {stable_mosaic.version = 14 : i64} {
  func.func @_edge_kernel(%arg0: i32, %arg1: i32, %arg2: memref<10000x128xf32, #tpu.memory_space<hbm>>, %arg3: memref<32x10240xi32, #tpu.memory_space<hbm>>, %arg4: memref<32x128x80xi32, #tpu.memory_space<hbm>>, %arg5: memref<10112x128xf32, #tpu.memory_space<hbm>>, %arg6: memref<2x10112x128xf32, #tpu.memory_space<hbm>>, %arg7: memref<10240xi32, #tpu.memory_space<vmem>>, %arg8: memref<128x80xi32, #tpu.memory_space<vmem>>, %arg9: memref<80x128xf32, #tpu.memory_space<vmem>>, %arg10: memref<80x128xf32, #tpu.memory_space<vmem>>, %arg11: memref<10112x128xf32, #tpu.memory_space<vmem_shared>>, %arg12: memref<!tpu.dma_semaphore, #tpu.memory_space<semaphore_mem>>, %arg13: memref<!tpu.dma_semaphore, #tpu.memory_space<semaphore_mem>>) attributes {dimension_semantics = [#tpu.dimension_semantics<core_parallel>, #tpu.dimension_semantics<subcore_parallel>], iteration_bounds = array<i64: 2, 16>, scalar_prefetch = 0 : i64, scratch_operands = 7 : i64, tpu.core_type = #tpu.core_type<sc_vector_subcore>, window_params = [{transform_indices = #map}, {transform_indices = #map}, {transform_indices = #map1}, {transform_indices = #map}, {transform_indices = #map1}]} {
    %mul3A = arith.constant 16 : i32
    %mul3A_0 = arith.muli %arg0, %mul3A : i32
    %add3A = arith.addi %mul3A_0, %arg1 : i32
    "tpu.region"() ({
      %run_scoped3A = tpu.sem_alloc : memref<!tpu.dma_semaphore, #tpu.memory_space<semaphore_mem>>
      %dma_start3A_23 = arith.constant 0 : i32
      %dma_start3A_24 = tpu.memref_slice %arg3[%add3A, %dma_start3A_23] : memref<32x10240xi32, #tpu.memory_space<hbm>> -> memref<1x10240xi32, #tpu.memory_space<hbm>>
      %dma_start3A_25 = tpu.memref_squeeze %dma_start3A_24 : memref<1x10240xi32, #tpu.memory_space<hbm>> -> memref<10240xi32, #tpu.memory_space<hbm>>
      %dma_start3A_26 = arith.constant 0 : i32
      %dma_start3A_27 = tpu.memref_slice %arg3[%add3A, %dma_start3A_26] : memref<32x10240xi32, #tpu.memory_space<hbm>> -> memref<1x10240xi32, #tpu.memory_space<hbm>>
      %dma_start3A_28 = tpu.memref_squeeze %dma_start3A_27 : memref<1x10240xi32, #tpu.memory_space<hbm>> -> memref<10240xi32, #tpu.memory_space<hbm>>
      tpu.enqueue_dma source(%dma_start3A_28 : memref<10240xi32, #tpu.memory_space<hbm>>) target(%arg7 : memref<10240xi32, #tpu.memory_space<vmem>>) target_semaphore(%run_scoped3A : memref<!tpu.dma_semaphore, #tpu.memory_space<semaphore_mem>>)
      %dma_wait3A = arith.constant 0 : i32
      %dma_wait3A_29 = tpu.memref_slice %arg3[%add3A, %dma_wait3A] : memref<32x10240xi32, #tpu.memory_space<hbm>> -> memref<1x10240xi32, #tpu.memory_space<hbm>>
      %dma_wait3A_30 = tpu.memref_squeeze %dma_wait3A_29 : memref<1x10240xi32, #tpu.memory_space<hbm>> -> memref<10240xi32, #tpu.memory_space<hbm>>
      %dma_wait3A_31 = arith.constant 0 : i32
      %dma_wait3A_32 = tpu.memref_slice %arg3[%add3A, %dma_wait3A_31] : memref<32x10240xi32, #tpu.memory_space<hbm>> -> memref<1x10240xi32, #tpu.memory_space<hbm>>
      %dma_wait3A_33 = tpu.memref_squeeze %dma_wait3A_32 : memref<1x10240xi32, #tpu.memory_space<hbm>> -> memref<10240xi32, #tpu.memory_space<hbm>>
      tpu.wait_dma2 semaphore(%run_scoped3A : memref<!tpu.dma_semaphore, #tpu.memory_space<semaphore_mem>>) src(%dma_wait3A_33 : memref<10240xi32, #tpu.memory_space<hbm>>) dst(%arg7 : memref<10240xi32, #tpu.memory_space<vmem>>)
      tpu.yield
    }) : () -> ()
    "tpu.region"() ({
      %run_scoped3A = tpu.sem_alloc : memref<!tpu.dma_semaphore, #tpu.memory_space<semaphore_mem>>
      %dma_start3A_23 = arith.constant 0 : i32
      %dma_start3A_24 = arith.constant 0 : i32
      %dma_start3A_25 = tpu.memref_slice %arg4[%add3A, %dma_start3A_23, %dma_start3A_24] : memref<32x128x80xi32, #tpu.memory_space<hbm>> -> memref<1x128x80xi32, #tpu.memory_space<hbm>>
      %dma_start3A_26 = tpu.memref_squeeze %dma_start3A_25 : memref<1x128x80xi32, #tpu.memory_space<hbm>> -> memref<128x80xi32, #tpu.memory_space<hbm>>
      %dma_start3A_27 = arith.constant 0 : i32
      %dma_start3A_28 = arith.constant 0 : i32
      %dma_start3A_29 = tpu.memref_slice %arg4[%add3A, %dma_start3A_27, %dma_start3A_28] : memref<32x128x80xi32, #tpu.memory_space<hbm>> -> memref<1x128x80xi32, #tpu.memory_space<hbm>>
      %dma_start3A_30 = tpu.memref_squeeze %dma_start3A_29 : memref<1x128x80xi32, #tpu.memory_space<hbm>> -> memref<128x80xi32, #tpu.memory_space<hbm>>
      tpu.enqueue_dma source(%dma_start3A_30 : memref<128x80xi32, #tpu.memory_space<hbm>>) target(%arg8 : memref<128x80xi32, #tpu.memory_space<vmem>>) target_semaphore(%run_scoped3A : memref<!tpu.dma_semaphore, #tpu.memory_space<semaphore_mem>>)
      %dma_wait3A = arith.constant 0 : i32
      %dma_wait3A_31 = arith.constant 0 : i32
      %dma_wait3A_32 = tpu.memref_slice %arg4[%add3A, %dma_wait3A, %dma_wait3A_31] : memref<32x128x80xi32, #tpu.memory_space<hbm>> -> memref<1x128x80xi32, #tpu.memory_space<hbm>>
      %dma_wait3A_33 = tpu.memref_squeeze %dma_wait3A_32 : memref<1x128x80xi32, #tpu.memory_space<hbm>> -> memref<128x80xi32, #tpu.memory_space<hbm>>
      %dma_wait3A_34 = arith.constant 0 : i32
      %dma_wait3A_35 = arith.constant 0 : i32
      %dma_wait3A_36 = tpu.memref_slice %arg4[%add3A, %dma_wait3A_34, %dma_wait3A_35] : memref<32x128x80xi32, #tpu.memory_space<hbm>> -> memref<1x128x80xi32, #tpu.memory_space<hbm>>
      %dma_wait3A_37 = tpu.memref_squeeze %dma_wait3A_36 : memref<1x128x80xi32, #tpu.memory_space<hbm>> -> memref<128x80xi32, #tpu.memory_space<hbm>>
      tpu.wait_dma2 semaphore(%run_scoped3A : memref<!tpu.dma_semaphore, #tpu.memory_space<semaphore_mem>>) src(%dma_wait3A_37 : memref<128x80xi32, #tpu.memory_space<hbm>>) dst(%arg8 : memref<128x80xi32, #tpu.memory_space<vmem>>)
      tpu.yield
    }) : () -> ()
    %mul3A_1 = arith.constant 632 : i32
    %mul3A_2 = arith.muli %arg1, %mul3A_1 : i32
    %mul3A_3 = arith.constant 632 : i32
    %mul3A_4 = arith.muli %arg1, %mul3A_3 : i32
    "tpu.region"() ({
      %run_scoped3A = tpu.sem_alloc : memref<!tpu.dma_semaphore, #tpu.memory_space<semaphore_mem>>
      %dma_start3A_23 = arith.constant 0 : i32
      %dma_start3A_24 = tpu.memref_slice %arg11[%mul3A_4, %dma_start3A_23] : memref<10112x128xf32, #tpu.memory_space<vmem_shared>> -> memref<632x128xf32, #tpu.memory_space<vmem_shared>>
      %dma_start3A_25 = arith.constant 0 : i32
      %dma_start3A_26 = tpu.memref_slice %arg5[%mul3A_2, %dma_start3A_25] : memref<10112x128xf32, #tpu.memory_space<hbm>> -> memref<632x128xf32, #tpu.memory_space<hbm>>
      tpu.enqueue_dma source(%dma_start3A_26 : memref<632x128xf32, #tpu.memory_space<hbm>>) target(%dma_start3A_24 : memref<632x128xf32, #tpu.memory_space<vmem_shared>>) target_semaphore(%run_scoped3A : memref<!tpu.dma_semaphore, #tpu.memory_space<semaphore_mem>>)
      %dma_wait3A = arith.constant 0 : i32
      %dma_wait3A_27 = tpu.memref_slice %arg11[%mul3A_4, %dma_wait3A] : memref<10112x128xf32, #tpu.memory_space<vmem_shared>> -> memref<632x128xf32, #tpu.memory_space<vmem_shared>>
      %dma_wait3A_28 = arith.constant 0 : i32
      %dma_wait3A_29 = tpu.memref_slice %arg5[%mul3A_2, %dma_wait3A_28] : memref<10112x128xf32, #tpu.memory_space<hbm>> -> memref<632x128xf32, #tpu.memory_space<hbm>>
      tpu.wait_dma2 semaphore(%run_scoped3A : memref<!tpu.dma_semaphore, #tpu.memory_space<semaphore_mem>>) src(%dma_wait3A_29 : memref<632x128xf32, #tpu.memory_space<hbm>>) dst(%dma_wait3A_27 : memref<632x128xf32, #tpu.memory_space<vmem_shared>>)
      tpu.yield
    }) : () -> ()
    %barrier3A = arith.constant 0 : index
    tpu.barrier barrier_id(%barrier3A)
    %dma_start3A = arith.constant 0 : i32
    %dma_start3A_5 = tpu.memref_slice %arg7[%dma_start3A] : memref<10240xi32, #tpu.memory_space<vmem>> -> memref<80xi32, #tpu.memory_space<vmem>>
    %dma_start3A_6 = arith.constant 0 : i32
    %dma_start3A_7 = arith.constant 0 : i32
    %dma_start3A_8 = tpu.memref_slice %arg2[%dma_start3A_6, %dma_start3A_7] : memref<10000x128xf32, #tpu.memory_space<hbm>> -> memref<10000x128xf32, #tpu.memory_space<hbm>>
    tpu.enqueue_indirect_dma source(%dma_start3A_8 : memref<10000x128xf32, #tpu.memory_space<hbm>>) target(%arg9 : memref<80x128xf32, #tpu.memory_space<vmem>>) offsets(%dma_start3A_5 : memref<80xi32, #tpu.memory_space<vmem>>) semaphore(%arg12 : memref<!tpu.dma_semaphore, #tpu.memory_space<semaphore_mem>>)
    %dma_start3A_9 = arith.constant 80 : i32
    %dma_start3A_10 = tpu.memref_slice %arg7[%dma_start3A_9] : memref<10240xi32, #tpu.memory_space<vmem>> -> memref<80xi32, #tpu.memory_space<vmem>>
    %dma_start3A_11 = arith.constant 0 : i32
    %dma_start3A_12 = arith.constant 0 : i32
    %dma_start3A_13 = tpu.memref_slice %arg2[%dma_start3A_11, %dma_start3A_12] : memref<10000x128xf32, #tpu.memory_space<hbm>> -> memref<10000x128xf32, #tpu.memory_space<hbm>>
    tpu.enqueue_indirect_dma source(%dma_start3A_13 : memref<10000x128xf32, #tpu.memory_space<hbm>>) target(%arg10 : memref<80x128xf32, #tpu.memory_space<vmem>>) offsets(%dma_start3A_10 : memref<80xi32, #tpu.memory_space<vmem>>) semaphore(%arg13 : memref<!tpu.dma_semaphore, #tpu.memory_space<semaphore_mem>>)
    %scan3A = arith.constant 0 : i32
    %scan3A_14 = arith.constant 64 : i32
    %scan3A_15 = arith.addi %scan3A, %scan3A_14 : i32
    %scan3A_16 = arith.constant 1 : i32
    scf.for %scan3A_23 = %scan3A to %scan3A_15 step %scan3A_16  : i32 {
      %mul3A_24 = arith.constant 1 : i32
      %mul3A_25 = arith.muli %scan3A_23, %mul3A_24 : i32
      %add3A_26 = arith.constant 0 : i32
      %add3A_27 = arith.addi %add3A_26, %mul3A_25 : i32
      %mul3A_28 = arith.constant 2 : i32
      %mul3A_29 = arith.muli %add3A_27, %mul3A_28 : i32
      %add3A_30 = arith.constant 0 : i32
      %add3A_31 = arith.addi %mul3A_29, %add3A_30 : i32
      %mul3A_32 = arith.constant 80 : i32
      %mul3A_33 = arith.muli %add3A_31, %mul3A_32 : i32
      %dma_wait3A = tpu.memref_slice %arg7[%mul3A_33] : memref<10240xi32, #tpu.memory_space<vmem>> -> memref<80xi32, #tpu.memory_space<vmem>>
      %dma_wait3A_34 = arith.constant 0 : i32
      %dma_wait3A_35 = arith.constant 0 : i32
      %dma_wait3A_36 = tpu.memref_slice %arg2[%dma_wait3A_34, %dma_wait3A_35] : memref<10000x128xf32, #tpu.memory_space<hbm>> -> memref<10000x128xf32, #tpu.memory_space<hbm>>
      tpu.wait_indirect_dma semaphore(%arg12 : memref<!tpu.dma_semaphore, #tpu.memory_space<semaphore_mem>>) src(%dma_wait3A_36 : memref<10000x128xf32, #tpu.memory_space<hbm>>) dst(%arg9 : memref<80x128xf32, #tpu.memory_space<vmem>>)
      "tpu.region"() ({
        %run_scoped3A = tpu.sem_alloc : memref<!tpu.dma_semaphore, #tpu.memory_space<semaphore_mem>>
        %dma_start3A_56 = arith.constant 0 : i32
        %dma_start3A_57 = tpu.memref_slice %arg8[%add3A_31, %dma_start3A_56] : memref<128x80xi32, #tpu.memory_space<vmem>> -> memref<1x80xi32, #tpu.memory_space<vmem>>
        %dma_start3A_58 = tpu.memref_squeeze %dma_start3A_57 : memref<1x80xi32, #tpu.memory_space<vmem>> -> memref<80xi32, #tpu.memory_space<vmem>>
        %dma_start3A_59 = arith.constant 0 : i32
        %dma_start3A_60 = arith.constant 0 : i32
        %dma_start3A_61 = tpu.memref_slice %arg11[%dma_start3A_59, %dma_start3A_60] : memref<10112x128xf32, #tpu.memory_space<vmem_shared>> -> memref<10112x128xf32, #tpu.memory_space<vmem_shared>>
        tpu.enqueue_indirect_dma source(%arg9 : memref<80x128xf32, #tpu.memory_space<vmem>>) target(%dma_start3A_61 : memref<10112x128xf32, #tpu.memory_space<vmem_shared>>) offsets(%dma_start3A_58 : memref<80xi32, #tpu.memory_space<vmem>>) semaphore(%run_scoped3A : memref<!tpu.dma_semaphore, #tpu.memory_space<semaphore_mem>>) {add = true}
        %dma_wait3A_62 = arith.constant 0 : i32
        %dma_wait3A_63 = tpu.memref_slice %arg8[%add3A_31, %dma_wait3A_62] : memref<128x80xi32, #tpu.memory_space<vmem>> -> memref<1x80xi32, #tpu.memory_space<vmem>>
        %dma_wait3A_64 = tpu.memref_squeeze %dma_wait3A_63 : memref<1x80xi32, #tpu.memory_space<vmem>> -> memref<80xi32, #tpu.memory_space<vmem>>
        %dma_wait3A_65 = arith.constant 0 : i32
        %dma_wait3A_66 = arith.constant 0 : i32
        %dma_wait3A_67 = tpu.memref_slice %arg11[%dma_wait3A_65, %dma_wait3A_66] : memref<10112x128xf32, #tpu.memory_space<vmem_shared>> -> memref<10112x128xf32, #tpu.memory_space<vmem_shared>>
        tpu.wait_indirect_dma semaphore(%run_scoped3A : memref<!tpu.dma_semaphore, #tpu.memory_space<semaphore_mem>>) src(%arg9 : memref<80x128xf32, #tpu.memory_space<vmem>>) dst(%dma_wait3A_67 : memref<10112x128xf32, #tpu.memory_space<vmem_shared>>)
        tpu.yield
      }) : () -> ()
      %add3A_37 = arith.constant 2 : i32
      %add3A_38 = arith.addi %add3A_31, %add3A_37 : i32
      %lt3A = arith.constant 128 : i32
      %lt3A_39 = arith.cmpi slt, %add3A_38, %lt3A : i32
      %convert_element_type3A = arith.extui %lt3A_39 : i1 to i32
      %cond3A = arith.constant 0 : i32
      %cond3A_40 = arith.cmpi ne, %convert_element_type3A, %cond3A : i32
      scf.if %cond3A_40 {
        %add3A_56 = arith.constant 2 : i32
        %add3A_57 = arith.addi %add3A_31, %add3A_56 : i32
        %mul3A_58 = arith.constant 80 : i32
        %mul3A_59 = arith.muli %add3A_57, %mul3A_58 : i32
        %dma_start3A_60 = tpu.memref_slice %arg7[%mul3A_59] : memref<10240xi32, #tpu.memory_space<vmem>> -> memref<80xi32, #tpu.memory_space<vmem>>
        %dma_start3A_61 = arith.constant 0 : i32
        %dma_start3A_62 = arith.constant 0 : i32
        %dma_start3A_63 = tpu.memref_slice %arg2[%dma_start3A_61, %dma_start3A_62] : memref<10000x128xf32, #tpu.memory_space<hbm>> -> memref<10000x128xf32, #tpu.memory_space<hbm>>
        tpu.enqueue_indirect_dma source(%dma_start3A_63 : memref<10000x128xf32, #tpu.memory_space<hbm>>) target(%arg9 : memref<80x128xf32, #tpu.memory_space<vmem>>) offsets(%dma_start3A_60 : memref<80xi32, #tpu.memory_space<vmem>>) semaphore(%arg12 : memref<!tpu.dma_semaphore, #tpu.memory_space<semaphore_mem>>)
      } else {
      }
      %add3A_41 = arith.constant 1 : i32
      %add3A_42 = arith.addi %mul3A_29, %add3A_41 : i32
      %mul3A_43 = arith.constant 80 : i32
      %mul3A_44 = arith.muli %add3A_42, %mul3A_43 : i32
      %dma_wait3A_45 = tpu.memref_slice %arg7[%mul3A_44] : memref<10240xi32, #tpu.memory_space<vmem>> -> memref<80xi32, #tpu.memory_space<vmem>>
      %dma_wait3A_46 = arith.constant 0 : i32
      %dma_wait3A_47 = arith.constant 0 : i32
      %dma_wait3A_48 = tpu.memref_slice %arg2[%dma_wait3A_46, %dma_wait3A_47] : memref<10000x128xf32, #tpu.memory_space<hbm>> -> memref<10000x128xf32, #tpu.memory_space<hbm>>
      tpu.wait_indirect_dma semaphore(%arg13 : memref<!tpu.dma_semaphore, #tpu.memory_space<semaphore_mem>>) src(%dma_wait3A_48 : memref<10000x128xf32, #tpu.memory_space<hbm>>) dst(%arg10 : memref<80x128xf32, #tpu.memory_space<vmem>>)
      "tpu.region"() ({
        %run_scoped3A = tpu.sem_alloc : memref<!tpu.dma_semaphore, #tpu.memory_space<semaphore_mem>>
        %dma_start3A_56 = arith.constant 0 : i32
        %dma_start3A_57 = tpu.memref_slice %arg8[%add3A_42, %dma_start3A_56] : memref<128x80xi32, #tpu.memory_space<vmem>> -> memref<1x80xi32, #tpu.memory_space<vmem>>
        %dma_start3A_58 = tpu.memref_squeeze %dma_start3A_57 : memref<1x80xi32, #tpu.memory_space<vmem>> -> memref<80xi32, #tpu.memory_space<vmem>>
        %dma_start3A_59 = arith.constant 0 : i32
        %dma_start3A_60 = arith.constant 0 : i32
        %dma_start3A_61 = tpu.memref_slice %arg11[%dma_start3A_59, %dma_start3A_60] : memref<10112x128xf32, #tpu.memory_space<vmem_shared>> -> memref<10112x128xf32, #tpu.memory_space<vmem_shared>>
        tpu.enqueue_indirect_dma source(%arg10 : memref<80x128xf32, #tpu.memory_space<vmem>>) target(%dma_start3A_61 : memref<10112x128xf32, #tpu.memory_space<vmem_shared>>) offsets(%dma_start3A_58 : memref<80xi32, #tpu.memory_space<vmem>>) semaphore(%run_scoped3A : memref<!tpu.dma_semaphore, #tpu.memory_space<semaphore_mem>>) {add = true}
        %dma_wait3A_62 = arith.constant 0 : i32
        %dma_wait3A_63 = tpu.memref_slice %arg8[%add3A_42, %dma_wait3A_62] : memref<128x80xi32, #tpu.memory_space<vmem>> -> memref<1x80xi32, #tpu.memory_space<vmem>>
        %dma_wait3A_64 = tpu.memref_squeeze %dma_wait3A_63 : memref<1x80xi32, #tpu.memory_space<vmem>> -> memref<80xi32, #tpu.memory_space<vmem>>
        %dma_wait3A_65 = arith.constant 0 : i32
        %dma_wait3A_66 = arith.constant 0 : i32
        %dma_wait3A_67 = tpu.memref_slice %arg11[%dma_wait3A_65, %dma_wait3A_66] : memref<10112x128xf32, #tpu.memory_space<vmem_shared>> -> memref<10112x128xf32, #tpu.memory_space<vmem_shared>>
        tpu.wait_indirect_dma semaphore(%run_scoped3A : memref<!tpu.dma_semaphore, #tpu.memory_space<semaphore_mem>>) src(%arg10 : memref<80x128xf32, #tpu.memory_space<vmem>>) dst(%dma_wait3A_67 : memref<10112x128xf32, #tpu.memory_space<vmem_shared>>)
        tpu.yield
      }) : () -> ()
      %add3A_49 = arith.constant 2 : i32
      %add3A_50 = arith.addi %add3A_42, %add3A_49 : i32
      %lt3A_51 = arith.constant 128 : i32
      %lt3A_52 = arith.cmpi slt, %add3A_50, %lt3A_51 : i32
      %convert_element_type3A_53 = arith.extui %lt3A_52 : i1 to i32
      %cond3A_54 = arith.constant 0 : i32
      %cond3A_55 = arith.cmpi ne, %convert_element_type3A_53, %cond3A_54 : i32
      scf.if %cond3A_55 {
        %add3A_56 = arith.constant 2 : i32
        %add3A_57 = arith.addi %add3A_42, %add3A_56 : i32
        %mul3A_58 = arith.constant 80 : i32
        %mul3A_59 = arith.muli %add3A_57, %mul3A_58 : i32
        %dma_start3A_60 = tpu.memref_slice %arg7[%mul3A_59] : memref<10240xi32, #tpu.memory_space<vmem>> -> memref<80xi32, #tpu.memory_space<vmem>>
        %dma_start3A_61 = arith.constant 0 : i32
        %dma_start3A_62 = arith.constant 0 : i32
        %dma_start3A_63 = tpu.memref_slice %arg2[%dma_start3A_61, %dma_start3A_62] : memref<10000x128xf32, #tpu.memory_space<hbm>> -> memref<10000x128xf32, #tpu.memory_space<hbm>>
        tpu.enqueue_indirect_dma source(%dma_start3A_63 : memref<10000x128xf32, #tpu.memory_space<hbm>>) target(%arg10 : memref<80x128xf32, #tpu.memory_space<vmem>>) offsets(%dma_start3A_60 : memref<80xi32, #tpu.memory_space<vmem>>) semaphore(%arg13 : memref<!tpu.dma_semaphore, #tpu.memory_space<semaphore_mem>>)
      } else {
      }
    }
    %scan3A_17 = arith.constant 64 : i32
    %barrier3A_18 = arith.constant 0 : index
    tpu.barrier barrier_id(%barrier3A_18)
    %mul3A_19 = arith.constant 632 : i32
    %mul3A_20 = arith.muli %arg1, %mul3A_19 : i32
    %mul3A_21 = arith.constant 632 : i32
    %mul3A_22 = arith.muli %arg1, %mul3A_21 : i32
    "tpu.region"() ({
      %run_scoped3A = tpu.sem_alloc : memref<!tpu.dma_semaphore, #tpu.memory_space<semaphore_mem>>
      %dma_start3A_23 = arith.constant 0 : i32
      %dma_start3A_24 = tpu.memref_slice %arg6[%arg0, %mul3A_22, %dma_start3A_23] : memref<2x10112x128xf32, #tpu.memory_space<hbm>> -> memref<1x632x128xf32, #tpu.memory_space<hbm>>
      %dma_start3A_25 = tpu.memref_squeeze %dma_start3A_24 : memref<1x632x128xf32, #tpu.memory_space<hbm>> -> memref<632x128xf32, #tpu.memory_space<hbm>>
      %dma_start3A_26 = arith.constant 0 : i32
      %dma_start3A_27 = tpu.memref_slice %arg11[%mul3A_20, %dma_start3A_26] : memref<10112x128xf32, #tpu.memory_space<vmem_shared>> -> memref<632x128xf32, #tpu.memory_space<vmem_shared>>
      tpu.enqueue_dma source(%dma_start3A_27 : memref<632x128xf32, #tpu.memory_space<vmem_shared>>) target(%dma_start3A_25 : memref<632x128xf32, #tpu.memory_space<hbm>>) target_semaphore(%run_scoped3A : memref<!tpu.dma_semaphore, #tpu.memory_space<semaphore_mem>>)
      %dma_wait3A = arith.constant 0 : i32
      %dma_wait3A_28 = tpu.memref_slice %arg6[%arg0, %mul3A_22, %dma_wait3A] : memref<2x10112x128xf32, #tpu.memory_space<hbm>> -> memref<1x632x128xf32, #tpu.memory_space<hbm>>
      %dma_wait3A_29 = tpu.memref_squeeze %dma_wait3A_28 : memref<1x632x128xf32, #tpu.memory_space<hbm>> -> memref<632x128xf32, #tpu.memory_space<hbm>>
      %dma_wait3A_30 = arith.constant 0 : i32
      %dma_wait3A_31 = tpu.memref_slice %arg11[%mul3A_20, %dma_wait3A_30] : memref<10112x128xf32, #tpu.memory_space<vmem_shared>> -> memref<632x128xf32, #tpu.memory_space<vmem_shared>>
      tpu.wait_dma2 semaphore(%run_scoped3A : memref<!tpu.dma_semaphore, #tpu.memory_space<semaphore_mem>>) src(%dma_wait3A_31 : memref<632x128xf32, #tpu.memory_space<vmem_shared>>) dst(%dma_wait3A_29 : memref<632x128xf32, #tpu.memory_space<hbm>>)
      tpu.yield
    }) : () -> ()
    return
  }
}

#map = affine_map<(d0, d1) -> (0, 0)>
#map1 = affine_map<(d0, d1) -> (0, 0, 0)>
module attributes {stable_mosaic.version = 14 : i64} {
  func.func @_edge_kernel(%arg0: i32, %arg1: i32, %arg2: memref<10000x128xf32, #tpu.memory_space<hbm>>, %arg3: memref<32x10240xi32, #tpu.memory_space<hbm>>, %arg4: memref<32x128x80xi32, #tpu.memory_space<hbm>>, %arg5: memref<10112x128xf32, #tpu.memory_space<hbm>>, %arg6: memref<2x10112x128xf32, #tpu.memory_space<hbm>>, %arg7: memref<10240xi32, #tpu.memory_space<vmem>>, %arg8: memref<128x80xi32, #tpu.memory_space<vmem>>, %arg9: memref<80x128xf32, #tpu.memory_space<vmem>>, %arg10: memref<80x128xf32, #tpu.memory_space<vmem>>, %arg11: memref<10112x128xf32, #tpu.memory_space<vmem_shared>>, %arg12: memref<!tpu.dma_semaphore, #tpu.memory_space<semaphore_mem>>, %arg13: memref<!tpu.dma_semaphore, #tpu.memory_space<semaphore_mem>>) attributes {dimension_semantics = [#tpu.dimension_semantics<core_parallel>, #tpu.dimension_semantics<subcore_parallel>], iteration_bounds = array<i64: 2, 16>, scalar_prefetch = 0 : i64, scratch_operands = 7 : i64, tpu.core_type = #tpu.core_type<sc_vector_subcore>, window_params = [{transform_indices = #map}, {transform_indices = #map}, {transform_indices = #map1}, {transform_indices = #map}, {transform_indices = #map1}]} {
    %mul3A = arith.constant 16 : i32
    %mul3A_0 = arith.muli %arg0, %mul3A : i32
    %add3A = arith.addi %mul3A_0, %arg1 : i32
    "tpu.region"() ({
      %run_scoped3A = tpu.sem_alloc : memref<!tpu.dma_semaphore, #tpu.memory_space<semaphore_mem>>
      %dma_start3A_23 = arith.constant 0 : i32
      %dma_start3A_24 = tpu.memref_slice %arg3[%add3A, %dma_start3A_23] : memref<32x10240xi32, #tpu.memory_space<hbm>> -> memref<1x10240xi32, #tpu.memory_space<hbm>>
      %dma_start3A_25 = tpu.memref_squeeze %dma_start3A_24 : memref<1x10240xi32, #tpu.memory_space<hbm>> -> memref<10240xi32, #tpu.memory_space<hbm>>
      %dma_start3A_26 = arith.constant 0 : i32
      %dma_start3A_27 = tpu.memref_slice %arg3[%add3A, %dma_start3A_26] : memref<32x10240xi32, #tpu.memory_space<hbm>> -> memref<1x10240xi32, #tpu.memory_space<hbm>>
      %dma_start3A_28 = tpu.memref_squeeze %dma_start3A_27 : memref<1x10240xi32, #tpu.memory_space<hbm>> -> memref<10240xi32, #tpu.memory_space<hbm>>
      tpu.enqueue_dma source(%dma_start3A_28 : memref<10240xi32, #tpu.memory_space<hbm>>) target(%arg7 : memref<10240xi32, #tpu.memory_space<vmem>>) target_semaphore(%run_scoped3A : memref<!tpu.dma_semaphore, #tpu.memory_space<semaphore_mem>>)
      %dma_wait3A = arith.constant 0 : i32
      %dma_wait3A_29 = tpu.memref_slice %arg3[%add3A, %dma_wait3A] : memref<32x10240xi32, #tpu.memory_space<hbm>> -> memref<1x10240xi32, #tpu.memory_space<hbm>>
      %dma_wait3A_30 = tpu.memref_squeeze %dma_wait3A_29 : memref<1x10240xi32, #tpu.memory_space<hbm>> -> memref<10240xi32, #tpu.memory_space<hbm>>
      %dma_wait3A_31 = arith.constant 0 : i32
      %dma_wait3A_32 = tpu.memref_slice %arg3[%add3A, %dma_wait3A_31] : memref<32x10240xi32, #tpu.memory_space<hbm>> -> memref<1x10240xi32, #tpu.memory_space<hbm>>
      %dma_wait3A_33 = tpu.memref_squeeze %dma_wait3A_32 : memref<1x10240xi32, #tpu.memory_space<hbm>> -> memref<10240xi32, #tpu.memory_space<hbm>>
      tpu.wait_dma2 semaphore(%run_scoped3A : memref<!tpu.dma_semaphore, #tpu.memory_space<semaphore_mem>>) src(%dma_wait3A_33 : memref<10240xi32, #tpu.memory_space<hbm>>) dst(%arg7 : memref<10240xi32, #tpu.memory_space<vmem>>)
      tpu.yield
    }) : () -> ()
    "tpu.region"() ({
      %run_scoped3A = tpu.sem_alloc : memref<!tpu.dma_semaphore, #tpu.memory_space<semaphore_mem>>
      %dma_start3A_23 = arith.constant 0 : i32
      %dma_start3A_24 = arith.constant 0 : i32
      %dma_start3A_25 = tpu.memref_slice %arg4[%add3A, %dma_start3A_23, %dma_start3A_24] : memref<32x128x80xi32, #tpu.memory_space<hbm>> -> memref<1x128x80xi32, #tpu.memory_space<hbm>>
      %dma_start3A_26 = tpu.memref_squeeze %dma_start3A_25 : memref<1x128x80xi32, #tpu.memory_space<hbm>> -> memref<128x80xi32, #tpu.memory_space<hbm>>
      %dma_start3A_27 = arith.constant 0 : i32
      %dma_start3A_28 = arith.constant 0 : i32
      %dma_start3A_29 = tpu.memref_slice %arg4[%add3A, %dma_start3A_27, %dma_start3A_28] : memref<32x128x80xi32, #tpu.memory_space<hbm>> -> memref<1x128x80xi32, #tpu.memory_space<hbm>>
      %dma_start3A_30 = tpu.memref_squeeze %dma_start3A_29 : memref<1x128x80xi32, #tpu.memory_space<hbm>> -> memref<128x80xi32, #tpu.memory_space<hbm>>
      tpu.enqueue_dma source(%dma_start3A_30 : memref<128x80xi32, #tpu.memory_space<hbm>>) target(%arg8 : memref<128x80xi32, #tpu.memory_space<vmem>>) target_semaphore(%run_scoped3A : memref<!tpu.dma_semaphore, #tpu.memory_space<semaphore_mem>>)
      %dma_wait3A = arith.constant 0 : i32
      %dma_wait3A_31 = arith.constant 0 : i32
      %dma_wait3A_32 = tpu.memref_slice %arg4[%add3A, %dma_wait3A, %dma_wait3A_31] : memref<32x128x80xi32, #tpu.memory_space<hbm>> -> memref<1x128x80xi32, #tpu.memory_space<hbm>>
      %dma_wait3A_33 = tpu.memref_squeeze %dma_wait3A_32 : memref<1x128x80xi32, #tpu.memory_space<hbm>> -> memref<128x80xi32, #tpu.memory_space<hbm>>
      %dma_wait3A_34 = arith.constant 0 : i32
      %dma_wait3A_35 = arith.constant 0 : i32
      %dma_wait3A_36 = tpu.memref_slice %arg4[%add3A, %dma_wait3A_34, %dma_wait3A_35] : memref<32x128x80xi32, #tpu.memory_space<hbm>> -> memref<1x128x80xi32, #tpu.memory_space<hbm>>
      %dma_wait3A_37 = tpu.memref_squeeze %dma_wait3A_36 : memref<1x128x80xi32, #tpu.memory_space<hbm>> -> memref<128x80xi32, #tpu.memory_space<hbm>>
      tpu.wait_dma2 semaphore(%run_scoped3A : memref<!tpu.dma_semaphore, #tpu.memory_space<semaphore_mem>>) src(%dma_wait3A_37 : memref<128x80xi32, #tpu.memory_space<hbm>>) dst(%arg8 : memref<128x80xi32, #tpu.memory_space<vmem>>)
      tpu.yield
    }) : () -> ()
    %mul3A_1 = arith.constant 632 : i32
    %mul3A_2 = arith.muli %arg1, %mul3A_1 : i32
    %mul3A_3 = arith.constant 632 : i32
    %mul3A_4 = arith.muli %arg1, %mul3A_3 : i32
    "tpu.region"() ({
      %run_scoped3A = tpu.sem_alloc : memref<!tpu.dma_semaphore, #tpu.memory_space<semaphore_mem>>
      %dma_start3A_23 = arith.constant 0 : i32
      %dma_start3A_24 = tpu.memref_slice %arg11[%mul3A_4, %dma_start3A_23] : memref<10112x128xf32, #tpu.memory_space<vmem_shared>> -> memref<632x128xf32, #tpu.memory_space<vmem_shared>>
      %dma_start3A_25 = arith.constant 0 : i32
      %dma_start3A_26 = tpu.memref_slice %arg5[%mul3A_2, %dma_start3A_25] : memref<10112x128xf32, #tpu.memory_space<hbm>> -> memref<632x128xf32, #tpu.memory_space<hbm>>
      tpu.enqueue_dma source(%dma_start3A_26 : memref<632x128xf32, #tpu.memory_space<hbm>>) target(%dma_start3A_24 : memref<632x128xf32, #tpu.memory_space<vmem_shared>>) target_semaphore(%run_scoped3A : memref<!tpu.dma_semaphore, #tpu.memory_space<semaphore_mem>>)
      %dma_wait3A = arith.constant 0 : i32
      %dma_wait3A_27 = tpu.memref_slice %arg11[%mul3A_4, %dma_wait3A] : memref<10112x128xf32, #tpu.memory_space<vmem_shared>> -> memref<632x128xf32, #tpu.memory_space<vmem_shared>>
      %dma_wait3A_28 = arith.constant 0 : i32
      %dma_wait3A_29 = tpu.memref_slice %arg5[%mul3A_2, %dma_wait3A_28] : memref<10112x128xf32, #tpu.memory_space<hbm>> -> memref<632x128xf32, #tpu.memory_space<hbm>>
      tpu.wait_dma2 semaphore(%run_scoped3A : memref<!tpu.dma_semaphore, #tpu.memory_space<semaphore_mem>>) src(%dma_wait3A_29 : memref<632x128xf32, #tpu.memory_space<hbm>>) dst(%dma_wait3A_27 : memref<632x128xf32, #tpu.memory_space<vmem_shared>>)
      tpu.yield
    }) : () -> ()
    %barrier3A = arith.constant 0 : index
    tpu.barrier barrier_id(%barrier3A)
    %dma_start3A = arith.constant 0 : i32
    %dma_start3A_5 = tpu.memref_slice %arg7[%dma_start3A] : memref<10240xi32, #tpu.memory_space<vmem>> -> memref<80xi32, #tpu.memory_space<vmem>>
    %dma_start3A_6 = arith.constant 0 : i32
    %dma_start3A_7 = arith.constant 0 : i32
    %dma_start3A_8 = tpu.memref_slice %arg2[%dma_start3A_6, %dma_start3A_7] : memref<10000x128xf32, #tpu.memory_space<hbm>> -> memref<10000x128xf32, #tpu.memory_space<hbm>>
    tpu.enqueue_indirect_dma source(%dma_start3A_8 : memref<10000x128xf32, #tpu.memory_space<hbm>>) target(%arg9 : memref<80x128xf32, #tpu.memory_space<vmem>>) offsets(%dma_start3A_5 : memref<80xi32, #tpu.memory_space<vmem>>) semaphore(%arg12 : memref<!tpu.dma_semaphore, #tpu.memory_space<semaphore_mem>>)
    %dma_start3A_9 = arith.constant 80 : i32
    %dma_start3A_10 = tpu.memref_slice %arg7[%dma_start3A_9] : memref<10240xi32, #tpu.memory_space<vmem>> -> memref<80xi32, #tpu.memory_space<vmem>>
    %dma_start3A_11 = arith.constant 0 : i32
    %dma_start3A_12 = arith.constant 0 : i32
    %dma_start3A_13 = tpu.memref_slice %arg2[%dma_start3A_11, %dma_start3A_12] : memref<10000x128xf32, #tpu.memory_space<hbm>> -> memref<10000x128xf32, #tpu.memory_space<hbm>>
    tpu.enqueue_indirect_dma source(%dma_start3A_13 : memref<10000x128xf32, #tpu.memory_space<hbm>>) target(%arg10 : memref<80x128xf32, #tpu.memory_space<vmem>>) offsets(%dma_start3A_10 : memref<80xi32, #tpu.memory_space<vmem>>) semaphore(%arg13 : memref<!tpu.dma_semaphore, #tpu.memory_space<semaphore_mem>>)
    %scan3A = arith.constant 0 : i32
    %scan3A_14 = arith.constant 64 : i32
    %scan3A_15 = arith.addi %scan3A, %scan3A_14 : i32
    %scan3A_16 = arith.constant 1 : i32
    scf.for %scan3A_23 = %scan3A to %scan3A_15 step %scan3A_16  : i32 {
      %mul3A_24 = arith.constant 1 : i32
      %mul3A_25 = arith.muli %scan3A_23, %mul3A_24 : i32
      %add3A_26 = arith.constant 0 : i32
      %add3A_27 = arith.addi %add3A_26, %mul3A_25 : i32
      %mul3A_28 = arith.constant 2 : i32
      %mul3A_29 = arith.muli %add3A_27, %mul3A_28 : i32
      %add3A_30 = arith.constant 0 : i32
      %add3A_31 = arith.addi %mul3A_29, %add3A_30 : i32
      %mul3A_32 = arith.constant 80 : i32
      %mul3A_33 = arith.muli %add3A_31, %mul3A_32 : i32
      %dma_wait3A = tpu.memref_slice %arg7[%mul3A_33] : memref<10240xi32, #tpu.memory_space<vmem>> -> memref<80xi32, #tpu.memory_space<vmem>>
      %dma_wait3A_34 = arith.constant 0 : i32
      %dma_wait3A_35 = arith.constant 0 : i32
      %dma_wait3A_36 = tpu.memref_slice %arg2[%dma_wait3A_34, %dma_wait3A_35] : memref<10000x128xf32, #tpu.memory_space<hbm>> -> memref<10000x128xf32, #tpu.memory_space<hbm>>
      tpu.wait_indirect_dma semaphore(%arg12 : memref<!tpu.dma_semaphore, #tpu.memory_space<semaphore_mem>>) src(%dma_wait3A_36 : memref<10000x128xf32, #tpu.memory_space<hbm>>) dst(%arg9 : memref<80x128xf32, #tpu.memory_space<vmem>>)
      "tpu.region"() ({
        %run_scoped3A = tpu.sem_alloc : memref<!tpu.dma_semaphore, #tpu.memory_space<semaphore_mem>>
        %dma_start3A_56 = arith.constant 0 : i32
        %dma_start3A_57 = tpu.memref_slice %arg8[%add3A_31, %dma_start3A_56] : memref<128x80xi32, #tpu.memory_space<vmem>> -> memref<1x80xi32, #tpu.memory_space<vmem>>
        %dma_start3A_58 = tpu.memref_squeeze %dma_start3A_57 : memref<1x80xi32, #tpu.memory_space<vmem>> -> memref<80xi32, #tpu.memory_space<vmem>>
        %dma_start3A_59 = arith.constant 0 : i32
        %dma_start3A_60 = arith.constant 0 : i32
        %dma_start3A_61 = tpu.memref_slice %arg11[%dma_start3A_59, %dma_start3A_60] : memref<10112x128xf32, #tpu.memory_space<vmem_shared>> -> memref<10112x128xf32, #tpu.memory_space<vmem_shared>>
        tpu.enqueue_indirect_dma source(%arg9 : memref<80x128xf32, #tpu.memory_space<vmem>>) target(%dma_start3A_61 : memref<10112x128xf32, #tpu.memory_space<vmem_shared>>) offsets(%dma_start3A_58 : memref<80xi32, #tpu.memory_space<vmem>>) semaphore(%run_scoped3A : memref<!tpu.dma_semaphore, #tpu.memory_space<semaphore_mem>>) {add = true}
        %dma_wait3A_62 = arith.constant 0 : i32
        %dma_wait3A_63 = tpu.memref_slice %arg8[%add3A_31, %dma_wait3A_62] : memref<128x80xi32, #tpu.memory_space<vmem>> -> memref<1x80xi32, #tpu.memory_space<vmem>>
        %dma_wait3A_64 = tpu.memref_squeeze %dma_wait3A_63 : memref<1x80xi32, #tpu.memory_space<vmem>> -> memref<80xi32, #tpu.memory_space<vmem>>
        %dma_wait3A_65 = arith.constant 0 : i32
        %dma_wait3A_66 = arith.constant 0 : i32
        %dma_wait3A_67 = tpu.memref_slice %arg11[%dma_wait3A_65, %dma_wait3A_66] : memref<10112x128xf32, #tpu.memory_space<vmem_shared>> -> memref<10112x128xf32, #tpu.memory_space<vmem_shared>>
        tpu.wait_indirect_dma semaphore(%run_scoped3A : memref<!tpu.dma_semaphore, #tpu.memory_space<semaphore_mem>>) src(%arg9 : memref<80x128xf32, #tpu.memory_space<vmem>>) dst(%dma_wait3A_67 : memref<10112x128xf32, #tpu.memory_space<vmem_shared>>)
        tpu.yield
      }) : () -> ()
      %add3A_37 = arith.constant 2 : i32
      %add3A_38 = arith.addi %add3A_31, %add3A_37 : i32
      %lt3A = arith.constant 128 : i32
      %lt3A_39 = arith.cmpi slt, %add3A_38, %lt3A : i32
      %convert_element_type3A = arith.extui %lt3A_39 : i1 to i32
      %cond3A = arith.constant 0 : i32
      %cond3A_40 = arith.cmpi ne, %convert_element_type3A, %cond3A : i32
      scf.if %cond3A_40 {
        %add3A_56 = arith.constant 2 : i32
        %add3A_57 = arith.addi %add3A_31, %add3A_56 : i32
        %mul3A_58 = arith.constant 80 : i32
        %mul3A_59 = arith.muli %add3A_57, %mul3A_58 : i32
        %dma_start3A_60 = tpu.memref_slice %arg7[%mul3A_59] : memref<10240xi32, #tpu.memory_space<vmem>> -> memref<80xi32, #tpu.memory_space<vmem>>
        %dma_start3A_61 = arith.constant 0 : i32
        %dma_start3A_62 = arith.constant 0 : i32
        %dma_start3A_63 = tpu.memref_slice %arg2[%dma_start3A_61, %dma_start3A_62] : memref<10000x128xf32, #tpu.memory_space<hbm>> -> memref<10000x128xf32, #tpu.memory_space<hbm>>
        tpu.enqueue_indirect_dma source(%dma_start3A_63 : memref<10000x128xf32, #tpu.memory_space<hbm>>) target(%arg9 : memref<80x128xf32, #tpu.memory_space<vmem>>) offsets(%dma_start3A_60 : memref<80xi32, #tpu.memory_space<vmem>>) semaphore(%arg12 : memref<!tpu.dma_semaphore, #tpu.memory_space<semaphore_mem>>)
      } else {
      }
      %add3A_41 = arith.constant 1 : i32
      %add3A_42 = arith.addi %mul3A_29, %add3A_41 : i32
      %mul3A_43 = arith.constant 80 : i32
      %mul3A_44 = arith.muli %add3A_42, %mul3A_43 : i32
      %dma_wait3A_45 = tpu.memref_slice %arg7[%mul3A_44] : memref<10240xi32, #tpu.memory_space<vmem>> -> memref<80xi32, #tpu.memory_space<vmem>>
      %dma_wait3A_46 = arith.constant 0 : i32
      %dma_wait3A_47 = arith.constant 0 : i32
      %dma_wait3A_48 = tpu.memref_slice %arg2[%dma_wait3A_46, %dma_wait3A_47] : memref<10000x128xf32, #tpu.memory_space<hbm>> -> memref<10000x128xf32, #tpu.memory_space<hbm>>
      tpu.wait_indirect_dma semaphore(%arg13 : memref<!tpu.dma_semaphore, #tpu.memory_space<semaphore_mem>>) src(%dma_wait3A_48 : memref<10000x128xf32, #tpu.memory_space<hbm>>) dst(%arg10 : memref<80x128xf32, #tpu.memory_space<vmem>>)
      "tpu.region"() ({
        %run_scoped3A = tpu.sem_alloc : memref<!tpu.dma_semaphore, #tpu.memory_space<semaphore_mem>>
        %dma_start3A_56 = arith.constant 0 : i32
        %dma_start3A_57 = tpu.memref_slice %arg8[%add3A_42, %dma_start3A_56] : memref<128x80xi32, #tpu.memory_space<vmem>> -> memref<1x80xi32, #tpu.memory_space<vmem>>
        %dma_start3A_58 = tpu.memref_squeeze %dma_start3A_57 : memref<1x80xi32, #tpu.memory_space<vmem>> -> memref<80xi32, #tpu.memory_space<vmem>>
        %dma_start3A_59 = arith.constant 0 : i32
        %dma_start3A_60 = arith.constant 0 : i32
        %dma_start3A_61 = tpu.memref_slice %arg11[%dma_start3A_59, %dma_start3A_60] : memref<10112x128xf32, #tpu.memory_space<vmem_shared>> -> memref<10112x128xf32, #tpu.memory_space<vmem_shared>>
        tpu.enqueue_indirect_dma source(%arg10 : memref<80x128xf32, #tpu.memory_space<vmem>>) target(%dma_start3A_61 : memref<10112x128xf32, #tpu.memory_space<vmem_shared>>) offsets(%dma_start3A_58 : memref<80xi32, #tpu.memory_space<vmem>>) semaphore(%run_scoped3A : memref<!tpu.dma_semaphore, #tpu.memory_space<semaphore_mem>>) {add = true}
        %dma_wait3A_62 = arith.constant 0 : i32
        %dma_wait3A_63 = tpu.memref_slice %arg8[%add3A_42, %dma_wait3A_62] : memref<128x80xi32, #tpu.memory_space<vmem>> -> memref<1x80xi32, #tpu.memory_space<vmem>>
        %dma_wait3A_64 = tpu.memref_squeeze %dma_wait3A_63 : memref<1x80xi32, #tpu.memory_space<vmem>> -> memref<80xi32, #tpu.memory_space<vmem>>
        %dma_wait3A_65 = arith.constant 0 : i32
        %dma_wait3A_66 = arith.constant 0 : i32
        %dma_wait3A_67 = tpu.memref_slice %arg11[%dma_wait3A_65, %dma_wait3A_66] : memref<10112x128xf32, #tpu.memory_space<vmem_shared>> -> memref<10112x128xf32, #tpu.memory_space<vmem_shared>>
        tpu.wait_indirect_dma semaphore(%run_scoped3A : memref<!tpu.dma_semaphore, #tpu.memory_space<semaphore_mem>>) src(%arg10 : memref<80x128xf32, #tpu.memory_space<vmem>>) dst(%dma_wait3A_67 : memref<10112x128xf32, #tpu.memory_space<vmem_shared>>)
        tpu.yield
      }) : () -> ()
      %add3A_49 = arith.constant 2 : i32
      %add3A_50 = arith.addi %add3A_42, %add3A_49 : i32
      %lt3A_51 = arith.constant 128 : i32
      %lt3A_52 = arith.cmpi slt, %add3A_50, %lt3A_51 : i32
      %convert_element_type3A_53 = arith.extui %lt3A_52 : i1 to i32
      %cond3A_54 = arith.constant 0 : i32
      %cond3A_55 = arith.cmpi ne, %convert_element_type3A_53, %cond3A_54 : i32
      scf.if %cond3A_55 {
        %add3A_56 = arith.constant 2 : i32
        %add3A_57 = arith.addi %add3A_42, %add3A_56 : i32
        %mul3A_58 = arith.constant 80 : i32
        %mul3A_59 = arith.muli %add3A_57, %mul3A_58 : i32
        %dma_start3A_60 = tpu.memref_slice %arg7[%mul3A_59] : memref<10240xi32, #tpu.memory_space<vmem>> -> memref<80xi32, #tpu.memory_space<vmem>>
        %dma_start3A_61 = arith.constant 0 : i32
        %dma_start3A_62 = arith.constant 0 : i32
        %dma_start3A_63 = tpu.memref_slice %arg2[%dma_start3A_61, %dma_start3A_62] : memref<10000x128xf32, #tpu.memory_space<hbm>> -> memref<10000x128xf32, #tpu.memory_space<hbm>>
        tpu.enqueue_indirect_dma source(%dma_start3A_63 : memref<10000x128xf32, #tpu.memory_space<hbm>>) target(%arg10 : memref<80x128xf32, #tpu.memory_space<vmem>>) offsets(%dma_start3A_60 : memref<80xi32, #tpu.memory_space<vmem>>) semaphore(%arg13 : memref<!tpu.dma_semaphore, #tpu.memory_space<semaphore_mem>>)
      } else {
      }
    }
    %scan3A_17 = arith.constant 64 : i32
    %barrier3A_18 = arith.constant 0 : index
    tpu.barrier barrier_id(%barrier3A_18)
    %mul3A_19 = arith.constant 632 : i32
    %mul3A_20 = arith.muli %arg1, %mul3A_19 : i32
    %mul3A_21 = arith.constant 632 : i32
    %mul3A_22 = arith.muli %arg1, %mul3A_21 : i32
    "tpu.region"() ({
      %run_scoped3A = tpu.sem_alloc : memref<!tpu.dma_semaphore, #tpu.memory_space<semaphore_mem>>
      %dma_start3A_23 = arith.constant 0 : i32
      %dma_start3A_24 = tpu.memref_slice %arg6[%arg0, %mul3A_22, %dma_start3A_23] : memref<2x10112x128xf32, #tpu.memory_space<hbm>> -> memref<1x632x128xf32, #tpu.memory_space<hbm>>
      %dma_start3A_25 = tpu.memref_squeeze %dma_start3A_24 : memref<1x632x128xf32, #tpu.memory_space<hbm>> -> memref<632x128xf32, #tpu.memory_space<hbm>>
      %dma_start3A_26 = arith.constant 0 : i32
      %dma_start3A_27 = tpu.memref_slice %arg11[%mul3A_20, %dma_start3A_26] : memref<10112x128xf32, #tpu.memory_space<vmem_shared>> -> memref<632x128xf32, #tpu.memory_space<vmem_shared>>
      tpu.enqueue_dma source(%dma_start3A_27 : memref<632x128xf32, #tpu.memory_space<vmem_shared>>) target(%dma_start3A_25 : memref<632x128xf32, #tpu.memory_space<hbm>>) target_semaphore(%run_scoped3A : memref<!tpu.dma_semaphore, #tpu.memory_space<semaphore_mem>>)
      %dma_wait3A = arith.constant 0 : i32
      %dma_wait3A_28 = tpu.memref_slice %arg6[%arg0, %mul3A_22, %dma_wait3A] : memref<2x10112x128xf32, #tpu.memory_space<hbm>> -> memref<1x632x128xf32, #tpu.memory_space<hbm>>
      %dma_wait3A_29 = tpu.memref_squeeze %dma_wait3A_28 : memref<1x632x128xf32, #tpu.memory_space<hbm>> -> memref<632x128xf32, #tpu.memory_space<hbm>>
      %dma_wait3A_30 = arith.constant 0 : i32
      %dma_wait3A_31 = tpu.memref_slice %arg11[%mul3A_20, %dma_wait3A_30] : memref<10112x128xf32, #tpu.memory_space<vmem_shared>> -> memref<632x128xf32, #tpu.memory_space<vmem_shared>>
      tpu.wait_dma2 semaphore(%run_scoped3A : memref<!tpu.dma_semaphore, #tpu.memory_space<semaphore_mem>>) src(%dma_wait3A_31 : memref<632x128xf32, #tpu.memory_space<vmem_shared>>) dst(%dma_wait3A_29 : memref<632x128xf32, #tpu.memory_space<hbm>>)
      tpu.yield
    }) : () -> ()
    return
  }
}

module attributes {stable_mosaic.version = 14 : i64} {
  func.func @_mlp_body(%arg0: i32, %arg1: memref<400x128xf32, #tpu.memory_space<vmem>>, %arg2: memref<128x128xf32, #tpu.memory_space<vmem>>, %arg3: memref<1x128xf32, #tpu.memory_space<vmem>>, %arg4: memref<1x128xf32, #tpu.memory_space<vmem>>, %arg5: memref<1x128xf32, #tpu.memory_space<vmem>>, %arg6: memref<128x128xf32, #tpu.memory_space<vmem>>, %arg7: memref<1x128xf32, #tpu.memory_space<vmem>>, %arg8: memref<1x128xf32, #tpu.memory_space<vmem>>, %arg9: memref<1x128xf32, #tpu.memory_space<vmem>>, %arg10: memref<128x128xf32, #tpu.memory_space<vmem>>, %arg11: memref<2x400x128xf32, #tpu.memory_space<vmem>>, %arg12: memref<400x128xf32, #tpu.memory_space<vmem>>, %arg13: memref<400x128xf32, #tpu.memory_space<vmem>>, %arg14: memref<400x128xf32, #tpu.memory_space<vmem>>) attributes {dimension_semantics = [#tpu.dimension_semantics<arbitrary>], iteration_bounds = array<i64: 25>, scalar_prefetch = 0 : i64, scratch_operands = 0 : i64, tpu.core_type = #tpu.core_type<tc>, window_params = [{transform_indices = @transform_0, window_bounds = array<i64: 400, 128>}, {pipeline_mode = #tpu.pipeline_mode<synchronous>, transform_indices = @transform_1, window_bounds = array<i64: 128, 128>}, {pipeline_mode = #tpu.pipeline_mode<synchronous>, transform_indices = @transform_2, window_bounds = array<i64: 1, 128>}, {pipeline_mode = #tpu.pipeline_mode<synchronous>, transform_indices = @transform_3, window_bounds = array<i64: 1, 128>}, {pipeline_mode = #tpu.pipeline_mode<synchronous>, transform_indices = @transform_4, window_bounds = array<i64: 1, 128>}, {pipeline_mode = #tpu.pipeline_mode<synchronous>, transform_indices = @transform_5, window_bounds = array<i64: 128, 128>}, {pipeline_mode = #tpu.pipeline_mode<synchronous>, transform_indices = @transform_6, window_bounds = array<i64: 1, 128>}, {pipeline_mode = #tpu.pipeline_mode<synchronous>, transform_indices = @transform_7, window_bounds = array<i64: 1, 128>}, {pipeline_mode = #tpu.pipeline_mode<synchronous>, transform_indices = @transform_8, window_bounds = array<i64: 1, 128>}, {pipeline_mode = #tpu.pipeline_mode<synchronous>, transform_indices = @transform_9, window_bounds = array<i64: 128, 128>}, {transform_indices = @transform_10, window_bounds = array<i64: 2, 400, 128>}, {transform_indices = @transform_11, window_bounds = array<i64: 400, 128>}, {transform_indices = @transform_12, window_bounds = array<i64: 400, 128>}, {transform_indices = @transform_13, window_bounds = array<i64: 400, 128>}]} {
    %get3A = arith.constant 0 : index
    %get3A_0 = arith.constant 0 : index
    %get3A_1 = vector.load %arg1[%get3A, %get3A_0] : memref<400x128xf32, #tpu.memory_space<vmem>>, vector<400x128xf32>
    %get3A_2 = arith.constant 0 : index
    %get3A_3 = arith.constant 0 : index
    %get3A_4 = vector.load %arg2[%get3A_2, %get3A_3] : memref<128x128xf32, #tpu.memory_space<vmem>>, vector<128x128xf32>
    %dot_general3A = arith.constant dense<0.000000e+00> : vector<400x128xf32>
    %dot_general3A_5 = tpu.matmul %get3A_1, %get3A_4, %dot_general3A {dimension_numbers = #tpu.dot_dimension_numbers<[1], [0], [0], [1], [0, 0, 1, 1], [], []>, transpose_lhs_hint = false} : vector<400x128xf32>, vector<128x128xf32>, vector<400x128xf32> -> vector<400x128xf32>
    %get3A_6 = arith.constant 0 : index
    %get3A_7 = arith.constant 0 : index
    %get3A_8 = vector.load %arg3[%get3A_6, %get3A_7] : memref<1x128xf32, #tpu.memory_space<vmem>>, vector<1x128xf32>
    %add3A = vector.broadcast %get3A_8 : vector<1x128xf32> to vector<400x128xf32>
    %add3A_9 = arith.addf %dot_general3A_5, %add3A : vector<400x128xf32>
    %max3A = arith.constant 0.000000e+00 : f32
    %max3A_10 = vector.broadcast %max3A : f32 to vector<400x128xf32>
    %max3A_11 = arith.maximumf %add3A_9, %max3A_10 : vector<400x128xf32>
    %get3A_12 = arith.constant 0 : index
    %get3A_13 = arith.constant 0 : index
    %get3A_14 = vector.load %arg4[%get3A_12, %get3A_13] : memref<1x128xf32, #tpu.memory_space<vmem>>, vector<1x128xf32>
    %mul3A = vector.broadcast %get3A_14 : vector<1x128xf32> to vector<400x128xf32>
    %mul3A_15 = arith.mulf %max3A_11, %mul3A : vector<400x128xf32>
    %get3A_16 = arith.constant 0 : index
    %get3A_17 = arith.constant 0 : index
    %get3A_18 = vector.load %arg5[%get3A_16, %get3A_17] : memref<1x128xf32, #tpu.memory_space<vmem>>, vector<1x128xf32>
    %add3A_19 = vector.broadcast %get3A_18 : vector<1x128xf32> to vector<400x128xf32>
    %add3A_20 = arith.addf %mul3A_15, %add3A_19 : vector<400x128xf32>
    %get3A_21 = arith.constant 0 : index
    %get3A_22 = arith.constant 0 : index
    %get3A_23 = vector.load %arg6[%get3A_21, %get3A_22] : memref<128x128xf32, #tpu.memory_space<vmem>>, vector<128x128xf32>
    %dot_general3A_24 = arith.constant dense<0.000000e+00> : vector<400x128xf32>
    %dot_general3A_25 = tpu.matmul %add3A_20, %get3A_23, %dot_general3A_24 {dimension_numbers = #tpu.dot_dimension_numbers<[1], [0], [0], [1], [0, 0, 1, 1], [], []>, transpose_lhs_hint = false} : vector<400x128xf32>, vector<128x128xf32>, vector<400x128xf32> -> vector<400x128xf32>
    %get3A_26 = arith.constant 0 : index
    %get3A_27 = arith.constant 0 : index
    %get3A_28 = vector.load %arg7[%get3A_26, %get3A_27] : memref<1x128xf32, #tpu.memory_space<vmem>>, vector<1x128xf32>
    %add3A_29 = vector.broadcast %get3A_28 : vector<1x128xf32> to vector<400x128xf32>
    %add3A_30 = arith.addf %dot_general3A_25, %add3A_29 : vector<400x128xf32>
    %max3A_31 = arith.constant 0.000000e+00 : f32
    %max3A_32 = vector.broadcast %max3A_31 : f32 to vector<400x128xf32>
    %max3A_33 = arith.maximumf %add3A_30, %max3A_32 : vector<400x128xf32>
    %get3A_34 = arith.constant 0 : index
    %get3A_35 = arith.constant 0 : index
    %get3A_36 = vector.load %arg8[%get3A_34, %get3A_35] : memref<1x128xf32, #tpu.memory_space<vmem>>, vector<1x128xf32>
    %mul3A_37 = vector.broadcast %get3A_36 : vector<1x128xf32> to vector<400x128xf32>
    %mul3A_38 = arith.mulf %max3A_33, %mul3A_37 : vector<400x128xf32>
    %get3A_39 = arith.constant 0 : index
    %get3A_40 = arith.constant 0 : index
    %get3A_41 = vector.load %arg9[%get3A_39, %get3A_40] : memref<1x128xf32, #tpu.memory_space<vmem>>, vector<1x128xf32>
    %add3A_42 = vector.broadcast %get3A_41 : vector<1x128xf32> to vector<400x128xf32>
    %add3A_43 = arith.addf %mul3A_38, %add3A_42 : vector<400x128xf32>
    %get3A_44 = arith.constant 0 : index
    %get3A_45 = arith.constant 0 : index
    %get3A_46 = vector.load %arg10[%get3A_44, %get3A_45] : memref<128x128xf32, #tpu.memory_space<vmem>>, vector<128x128xf32>
    %dot_general3A_47 = arith.constant dense<0.000000e+00> : vector<400x128xf32>
    %dot_general3A_48 = tpu.matmul %add3A_43, %get3A_46, %dot_general3A_47 {dimension_numbers = #tpu.dot_dimension_numbers<[1], [0], [0], [1], [0, 0, 1, 1], [], []>, transpose_lhs_hint = false} : vector<400x128xf32>, vector<128x128xf32>, vector<400x128xf32> -> vector<400x128xf32>
    %get3A_49 = arith.constant 0 : index
    %get3A_50 = arith.constant 0 : index
    %get3A_51 = arith.constant 0 : index
    %get3A_52 = vector.load %arg11[%get3A_49, %get3A_50, %get3A_51] : memref<2x400x128xf32, #tpu.memory_space<vmem>>, vector<1x400x1xf32>
    %get3A_53 = vector.shape_cast %get3A_52 : vector<1x400x1xf32> to vector<400x1xf32>
    %get3A_54 = arith.constant 1 : index
    %get3A_55 = arith.constant 0 : index
    %get3A_56 = arith.constant 0 : index
    %get3A_57 = vector.load %arg11[%get3A_54, %get3A_55, %get3A_56] : memref<2x400x128xf32, #tpu.memory_space<vmem>>, vector<1x400x1xf32>
    %get3A_58 = vector.shape_cast %get3A_57 : vector<1x400x1xf32> to vector<400x1xf32>
    %add3A_59 = arith.addf %get3A_53, %get3A_58 : vector<400x1xf32>
    %add3A_60 = arith.constant 1.000000e+00 : f32
    %add3A_61 = vector.broadcast %add3A_60 : f32 to vector<400x1xf32>
    %add3A_62 = arith.addf %add3A_59, %add3A_61 : vector<400x1xf32>
    %rsqrt3A = math.rsqrt %add3A_62 : vector<400x1xf32>
    %broadcast_in_dim3A = vector.shape_cast %rsqrt3A : vector<400x1xf32> to vector<400x1xf32>
    %broadcast_in_dim3A_63 = vector.broadcast %broadcast_in_dim3A : vector<400x1xf32> to vector<400x128xf32>
    %swap3A = arith.constant 0 : index
    %swap3A_64 = arith.constant 0 : index
    %swap3A_65 = vector.load %arg12[%swap3A, %swap3A_64] : memref<400x128xf32, #tpu.memory_space<vmem>>, vector<400x128xf32>
    tpu.vector_store %arg12[%swap3A, %swap3A_64], %dot_general3A_48 {strides = array<i32>} : memref<400x128xf32, #tpu.memory_space<vmem>>, vector<400x128xf32>,
    %mul3A_66 = arith.mulf %dot_general3A_48, %broadcast_in_dim3A_63 : vector<400x128xf32>
    %swap3A_67 = arith.constant 0 : index
    %swap3A_68 = arith.constant 0 : index
    %swap3A_69 = vector.load %arg13[%swap3A_67, %swap3A_68] : memref<400x128xf32, #tpu.memory_space<vmem>>, vector<400x128xf32>
    tpu.vector_store %arg13[%swap3A_67, %swap3A_68], %mul3A_66 {strides = array<i32>} : memref<400x128xf32, #tpu.memory_space<vmem>>, vector<400x128xf32>,
    %swap3A_70 = arith.constant 0 : index
    %swap3A_71 = arith.constant 0 : index
    %swap3A_72 = vector.load %arg14[%swap3A_70, %swap3A_71] : memref<400x128xf32, #tpu.memory_space<vmem>>, vector<400x128xf32>
    tpu.vector_store %arg14[%swap3A_70, %swap3A_71], %broadcast_in_dim3A_63 {strides = array<i32>} : memref<400x128xf32, #tpu.memory_space<vmem>>, vector<400x128xf32>,
    return
  }
  func.func @transform_0(%arg0: i32) -> (i32, i32) {
    %c0_i32 = arith.constant 0 : i32
    %c0_i32_0 = arith.constant 0 : i32
    return %arg0, %c0_i32 : i32, i32
  }
  func.func @transform_1(%arg0: i32) -> (i32, i32) {
    %c0_i32 = arith.constant 0 : i32
    %c0_i32_0 = arith.constant 0 : i32
    %c0_i32_1 = arith.constant 0 : i32
    return %c0_i32, %c0_i32_0 : i32, i32
  }
  func.func @transform_2(%arg0: i32) -> (i32, i32) {
    %c0_i32 = arith.constant 0 : i32
    %c0_i32_0 = arith.constant 0 : i32
    %c0_i32_1 = arith.constant 0 : i32
    return %c0_i32, %c0_i32_0 : i32, i32
  }
  func.func @transform_3(%arg0: i32) -> (i32, i32) {
    %c0_i32 = arith.constant 0 : i32
    %c0_i32_0 = arith.constant 0 : i32
    %c0_i32_1 = arith.constant 0 : i32
    return %c0_i32, %c0_i32_0 : i32, i32
  }
  func.func @transform_4(%arg0: i32) -> (i32, i32) {
    %c0_i32 = arith.constant 0 : i32
    %c0_i32_0 = arith.constant 0 : i32
    %c0_i32_1 = arith.constant 0 : i32
    return %c0_i32, %c0_i32_0 : i32, i32
  }
  func.func @transform_5(%arg0: i32) -> (i32, i32) {
    %c0_i32 = arith.constant 0 : i32
    %c0_i32_0 = arith.constant 0 : i32
    %c0_i32_1 = arith.constant 0 : i32
    return %c0_i32, %c0_i32_0 : i32, i32
  }
  func.func @transform_6(%arg0: i32) -> (i32, i32) {
    %c0_i32 = arith.constant 0 : i32
    %c0_i32_0 = arith.constant 0 : i32
    %c0_i32_1 = arith.constant 0 : i32
    return %c0_i32, %c0_i32_0 : i32, i32
  }
  func.func @transform_7(%arg0: i32) -> (i32, i32) {
    %c0_i32 = arith.constant 0 : i32
    %c0_i32_0 = arith.constant 0 : i32
    %c0_i32_1 = arith.constant 0 : i32
    return %c0_i32, %c0_i32_0 : i32, i32
  }
  func.func @transform_8(%arg0: i32) -> (i32, i32) {
    %c0_i32 = arith.constant 0 : i32
    %c0_i32_0 = arith.constant 0 : i32
    %c0_i32_1 = arith.constant 0 : i32
    return %c0_i32, %c0_i32_0 : i32, i32
  }
  func.func @transform_9(%arg0: i32) -> (i32, i32) {
    %c0_i32 = arith.constant 0 : i32
    %c0_i32_0 = arith.constant 0 : i32
    %c0_i32_1 = arith.constant 0 : i32
    return %c0_i32, %c0_i32_0 : i32, i32
  }
  func.func @transform_10(%arg0: i32) -> (i32, i32, i32) {
    %c0_i32 = arith.constant 0 : i32
    %c0_i32_0 = arith.constant 0 : i32
    %c0_i32_1 = arith.constant 0 : i32
    return %c0_i32, %arg0, %c0_i32_0 : i32, i32, i32
  }
  func.func @transform_11(%arg0: i32) -> (i32, i32) {
    %c0_i32 = arith.constant 0 : i32
    %c0_i32_0 = arith.constant 0 : i32
    return %arg0, %c0_i32 : i32, i32
  }
  func.func @transform_12(%arg0: i32) -> (i32, i32) {
    %c0_i32 = arith.constant 0 : i32
    %c0_i32_0 = arith.constant 0 : i32
    return %arg0, %c0_i32 : i32, i32
  }
  func.func @transform_13(%arg0: i32) -> (i32, i32) {
    %c0_i32 = arith.constant 0 : i32
    %c0_i32_0 = arith.constant 0 : i32
    return %arg0, %c0_i32 : i32, i32
  }
}

module attributes {stable_mosaic.version = 14 : i64} {
  func.func @_mid_body(%arg0: i32, %arg1: memref<2x400x128xf32, #tpu.memory_space<vmem>>, %arg2: memref<400x128xf32, #tpu.memory_space<vmem>>, %arg3: memref<400x128xf32, #tpu.memory_space<vmem>>, %arg4: memref<128x128xf32, #tpu.memory_space<vmem>>, %arg5: memref<1x128xf32, #tpu.memory_space<vmem>>, %arg6: memref<1x128xf32, #tpu.memory_space<vmem>>, %arg7: memref<1x128xf32, #tpu.memory_space<vmem>>, %arg8: memref<400x128xf32, #tpu.memory_space<vmem>>, %arg9: memref<400x128xf32, #tpu.memory_space<vmem>>) attributes {dimension_semantics = [#tpu.dimension_semantics<arbitrary>], iteration_bounds = array<i64: 25>, scalar_prefetch = 0 : i64, scratch_operands = 0 : i64, tpu.core_type = #tpu.core_type<tc>, window_params = [{transform_indices = @transform_0, window_bounds = array<i64: 2, 400, 128>}, {transform_indices = @transform_1, window_bounds = array<i64: 400, 128>}, {transform_indices = @transform_2, window_bounds = array<i64: 400, 128>}, {pipeline_mode = #tpu.pipeline_mode<synchronous>, transform_indices = @transform_3, window_bounds = array<i64: 128, 128>}, {pipeline_mode = #tpu.pipeline_mode<synchronous>, transform_indices = @transform_4, window_bounds = array<i64: 1, 128>}, {pipeline_mode = #tpu.pipeline_mode<synchronous>, transform_indices = @transform_5, window_bounds = array<i64: 1, 128>}, {pipeline_mode = #tpu.pipeline_mode<synchronous>, transform_indices = @transform_6, window_bounds = array<i64: 1, 128>}, {transform_indices = @transform_7, window_bounds = array<i64: 400, 128>}, {transform_indices = @transform_8, window_bounds = array<i64: 400, 128>}]} {
    %get3A = arith.constant 0 : index
    %get3A_0 = arith.constant 0 : index
    %get3A_1 = vector.load %arg3[%get3A, %get3A_0] : memref<400x128xf32, #tpu.memory_space<vmem>>, vector<400x128xf32>
    %get3A_2 = arith.constant 0 : index
    %get3A_3 = arith.constant 0 : index
    %get3A_4 = arith.constant 0 : index
    %get3A_5 = vector.load %arg1[%get3A_2, %get3A_3, %get3A_4] : memref<2x400x128xf32, #tpu.memory_space<vmem>>, vector<1x400x128xf32>
    %get3A_6 = vector.shape_cast %get3A_5 : vector<1x400x128xf32> to vector<400x128xf32>
    %get3A_7 = arith.constant 1 : index
    %get3A_8 = arith.constant 0 : index
    %get3A_9 = arith.constant 0 : index
    %get3A_10 = vector.load %arg1[%get3A_7, %get3A_8, %get3A_9] : memref<2x400x128xf32, #tpu.memory_space<vmem>>, vector<1x400x128xf32>
    %get3A_11 = vector.shape_cast %get3A_10 : vector<1x400x128xf32> to vector<400x128xf32>
    %add3A = arith.addf %get3A_6, %get3A_11 : vector<400x128xf32>
    %mul3A = arith.mulf %add3A, %get3A_1 : vector<400x128xf32>
    %get3A_12 = arith.constant 0 : index
    %get3A_13 = arith.constant 0 : index
    %get3A_14 = vector.load %arg2[%get3A_12, %get3A_13] : memref<400x128xf32, #tpu.memory_space<vmem>>, vector<400x128xf32>
    %mul3A_15 = arith.mulf %get3A_14, %get3A_1 : vector<400x128xf32>
    %mul3A_16 = arith.mulf %mul3A_15, %get3A_1 : vector<400x128xf32>
    %add3A_17 = arith.addf %mul3A, %mul3A_16 : vector<400x128xf32>
    %get3A_18 = arith.constant 0 : index
    %get3A_19 = arith.constant 0 : index
    %get3A_20 = vector.load %arg5[%get3A_18, %get3A_19] : memref<1x128xf32, #tpu.memory_space<vmem>>, vector<1x128xf32>
    %add3A_21 = vector.broadcast %get3A_20 : vector<1x128xf32> to vector<400x128xf32>
    %add3A_22 = arith.addf %add3A_17, %add3A_21 : vector<400x128xf32>
    %max3A = arith.constant 0.000000e+00 : f32
    %max3A_23 = vector.broadcast %max3A : f32 to vector<400x128xf32>
    %max3A_24 = arith.maximumf %add3A_22, %max3A_23 : vector<400x128xf32>
    %get3A_25 = arith.constant 0 : index
    %get3A_26 = arith.constant 0 : index
    %get3A_27 = vector.load %arg6[%get3A_25, %get3A_26] : memref<1x128xf32, #tpu.memory_space<vmem>>, vector<1x128xf32>
    %mul3A_28 = vector.broadcast %get3A_27 : vector<1x128xf32> to vector<400x128xf32>
    %mul3A_29 = arith.mulf %max3A_24, %mul3A_28 : vector<400x128xf32>
    %get3A_30 = arith.constant 0 : index
    %get3A_31 = arith.constant 0 : index
    %get3A_32 = vector.load %arg7[%get3A_30, %get3A_31] : memref<1x128xf32, #tpu.memory_space<vmem>>, vector<1x128xf32>
    %add3A_33 = vector.broadcast %get3A_32 : vector<1x128xf32> to vector<400x128xf32>
    %add3A_34 = arith.addf %mul3A_29, %add3A_33 : vector<400x128xf32>
    %get3A_35 = arith.constant 0 : index
    %get3A_36 = arith.constant 0 : index
    %get3A_37 = vector.load %arg4[%get3A_35, %get3A_36] : memref<128x128xf32, #tpu.memory_space<vmem>>, vector<128x128xf32>
    %dot_general3A = arith.constant dense<0.000000e+00> : vector<400x128xf32>
    %dot_general3A_38 = tpu.matmul %add3A_34, %get3A_37, %dot_general3A {dimension_numbers = #tpu.dot_dimension_numbers<[1], [0], [0], [1], [0, 0, 1, 1], [], []>, transpose_lhs_hint = false} : vector<400x128xf32>, vector<128x128xf32>, vector<400x128xf32> -> vector<400x128xf32>
    %swap3A = arith.constant 0 : index
    %swap3A_39 = arith.constant 0 : index
    %swap3A_40 = vector.load %arg8[%swap3A, %swap3A_39] : memref<400x128xf32, #tpu.memory_space<vmem>>, vector<400x128xf32>
    tpu.vector_store %arg8[%swap3A, %swap3A_39], %dot_general3A_38 {strides = array<i32>} : memref<400x128xf32, #tpu.memory_space<vmem>>, vector<400x128xf32>,
    %mul3A_41 = arith.mulf %dot_general3A_38, %get3A_1 : vector<400x128xf32>
    %swap3A_42 = arith.constant 0 : index
    %swap3A_43 = arith.constant 0 : index
    %swap3A_44 = vector.load %arg9[%swap3A_42, %swap3A_43] : memref<400x128xf32, #tpu.memory_space<vmem>>, vector<400x128xf32>
    tpu.vector_store %arg9[%swap3A_42, %swap3A_43], %mul3A_41 {strides = array<i32>} : memref<400x128xf32, #tpu.memory_space<vmem>>, vector<400x128xf32>,
    return
  }
  func.func @transform_0(%arg0: i32) -> (i32, i32, i32) {
    %c0_i32 = arith.constant 0 : i32
    %c0_i32_0 = arith.constant 0 : i32
    %c0_i32_1 = arith.constant 0 : i32
    return %c0_i32, %arg0, %c0_i32_0 : i32, i32, i32
  }
  func.func @transform_1(%arg0: i32) -> (i32, i32) {
    %c0_i32 = arith.constant 0 : i32
    %c0_i32_0 = arith.constant 0 : i32
    return %arg0, %c0_i32 : i32, i32
  }
  func.func @transform_2(%arg0: i32) -> (i32, i32) {
    %c0_i32 = arith.constant 0 : i32
    %c0_i32_0 = arith.constant 0 : i32
    return %arg0, %c0_i32 : i32, i32
  }
  func.func @transform_3(%arg0: i32) -> (i32, i32) {
    %c0_i32 = arith.constant 0 : i32
    %c0_i32_0 = arith.constant 0 : i32
    %c0_i32_1 = arith.constant 0 : i32
    return %c0_i32, %c0_i32_0 : i32, i32
  }
  func.func @transform_4(%arg0: i32) -> (i32, i32) {
    %c0_i32 = arith.constant 0 : i32
    %c0_i32_0 = arith.constant 0 : i32
    %c0_i32_1 = arith.constant 0 : i32
    return %c0_i32, %c0_i32_0 : i32, i32
  }
  func.func @transform_5(%arg0: i32) -> (i32, i32) {
    %c0_i32 = arith.constant 0 : i32
    %c0_i32_0 = arith.constant 0 : i32
    %c0_i32_1 = arith.constant 0 : i32
    return %c0_i32, %c0_i32_0 : i32, i32
  }
  func.func @transform_6(%arg0: i32) -> (i32, i32) {
    %c0_i32 = arith.constant 0 : i32
    %c0_i32_0 = arith.constant 0 : i32
    %c0_i32_1 = arith.constant 0 : i32
    return %c0_i32, %c0_i32_0 : i32, i32
  }
  func.func @transform_7(%arg0: i32) -> (i32, i32) {
    %c0_i32 = arith.constant 0 : i32
    %c0_i32_0 = arith.constant 0 : i32
    return %arg0, %c0_i32 : i32, i32
  }
  func.func @transform_8(%arg0: i32) -> (i32, i32) {
    %c0_i32 = arith.constant 0 : i32
    %c0_i32_0 = arith.constant 0 : i32
    return %arg0, %c0_i32 : i32, i32
  }
}

module attributes {stable_mosaic.version = 14 : i64} {
  func.func @_fin_body(%arg0: i32, %arg1: memref<2x400x128xf32, #tpu.memory_space<vmem>>, %arg2: memref<400x128xf32, #tpu.memory_space<vmem>>, %arg3: memref<400x128xf32, #tpu.memory_space<vmem>>, %arg4: memref<1x128xf32, #tpu.memory_space<vmem>>, %arg5: memref<1x128xf32, #tpu.memory_space<vmem>>, %arg6: memref<1x128xf32, #tpu.memory_space<vmem>>, %arg7: memref<400x128xf32, #tpu.memory_space<vmem>>) attributes {dimension_semantics = [#tpu.dimension_semantics<arbitrary>], iteration_bounds = array<i64: 25>, scalar_prefetch = 0 : i64, scratch_operands = 0 : i64, tpu.core_type = #tpu.core_type<tc>, window_params = [{transform_indices = @transform_0, window_bounds = array<i64: 2, 400, 128>}, {transform_indices = @transform_1, window_bounds = array<i64: 400, 128>}, {transform_indices = @transform_2, window_bounds = array<i64: 400, 128>}, {pipeline_mode = #tpu.pipeline_mode<synchronous>, transform_indices = @transform_3, window_bounds = array<i64: 1, 128>}, {pipeline_mode = #tpu.pipeline_mode<synchronous>, transform_indices = @transform_4, window_bounds = array<i64: 1, 128>}, {pipeline_mode = #tpu.pipeline_mode<synchronous>, transform_indices = @transform_5, window_bounds = array<i64: 1, 128>}, {transform_indices = @transform_6, window_bounds = array<i64: 400, 128>}]} {
    %get3A = arith.constant 0 : index
    %get3A_0 = arith.constant 0 : index
    %get3A_1 = vector.load %arg3[%get3A, %get3A_0] : memref<400x128xf32, #tpu.memory_space<vmem>>, vector<400x128xf32>
    %get3A_2 = arith.constant 0 : index
    %get3A_3 = arith.constant 0 : index
    %get3A_4 = arith.constant 0 : index
    %get3A_5 = vector.load %arg1[%get3A_2, %get3A_3, %get3A_4] : memref<2x400x128xf32, #tpu.memory_space<vmem>>, vector<1x400x128xf32>
    %get3A_6 = vector.shape_cast %get3A_5 : vector<1x400x128xf32> to vector<400x128xf32>
    %get3A_7 = arith.constant 1 : index
    %get3A_8 = arith.constant 0 : index
    %get3A_9 = arith.constant 0 : index
    %get3A_10 = vector.load %arg1[%get3A_7, %get3A_8, %get3A_9] : memref<2x400x128xf32, #tpu.memory_space<vmem>>, vector<1x400x128xf32>
    %get3A_11 = vector.shape_cast %get3A_10 : vector<1x400x128xf32> to vector<400x128xf32>
    %add3A = arith.addf %get3A_6, %get3A_11 : vector<400x128xf32>
    %mul3A = arith.mulf %add3A, %get3A_1 : vector<400x128xf32>
    %get3A_12 = arith.constant 0 : index
    %get3A_13 = arith.constant 0 : index
    %get3A_14 = vector.load %arg2[%get3A_12, %get3A_13] : memref<400x128xf32, #tpu.memory_space<vmem>>, vector<400x128xf32>
    %mul3A_15 = arith.mulf %get3A_14, %get3A_1 : vector<400x128xf32>
    %mul3A_16 = arith.mulf %mul3A_15, %get3A_1 : vector<400x128xf32>
    %add3A_17 = arith.addf %mul3A, %mul3A_16 : vector<400x128xf32>
    %get3A_18 = arith.constant 0 : index
    %get3A_19 = arith.constant 0 : index
    %get3A_20 = vector.load %arg4[%get3A_18, %get3A_19] : memref<1x128xf32, #tpu.memory_space<vmem>>, vector<1x128xf32>
    %add3A_21 = vector.broadcast %get3A_20 : vector<1x128xf32> to vector<400x128xf32>
    %add3A_22 = arith.addf %add3A_17, %add3A_21 : vector<400x128xf32>
    %max3A = arith.constant 0.000000e+00 : f32
    %max3A_23 = vector.broadcast %max3A : f32 to vector<400x128xf32>
    %max3A_24 = arith.maximumf %add3A_22, %max3A_23 : vector<400x128xf32>
    %get3A_25 = arith.constant 0 : index
    %get3A_26 = arith.constant 0 : index
    %get3A_27 = vector.load %arg5[%get3A_25, %get3A_26] : memref<1x128xf32, #tpu.memory_space<vmem>>, vector<1x128xf32>
    %mul3A_28 = vector.broadcast %get3A_27 : vector<1x128xf32> to vector<400x128xf32>
    %mul3A_29 = arith.mulf %max3A_24, %mul3A_28 : vector<400x128xf32>
    %get3A_30 = arith.constant 0 : index
    %get3A_31 = arith.constant 0 : index
    %get3A_32 = vector.load %arg6[%get3A_30, %get3A_31] : memref<1x128xf32, #tpu.memory_space<vmem>>, vector<1x128xf32>
    %add3A_33 = vector.broadcast %get3A_32 : vector<1x128xf32> to vector<400x128xf32>
    %add3A_34 = arith.addf %mul3A_29, %add3A_33 : vector<400x128xf32>
    %swap3A = arith.constant 0 : index
    %swap3A_35 = arith.constant 0 : index
    %swap3A_36 = vector.load %arg7[%swap3A, %swap3A_35] : memref<400x128xf32, #tpu.memory_space<vmem>>, vector<400x128xf32>
    tpu.vector_store %arg7[%swap3A, %swap3A_35], %add3A_34 {strides = array<i32>} : memref<400x128xf32, #tpu.memory_space<vmem>>, vector<400x128xf32>,
    return
  }
  func.func @transform_0(%arg0: i32) -> (i32, i32, i32) {
    %c0_i32 = arith.constant 0 : i32
    %c0_i32_0 = arith.constant 0 : i32
    %c0_i32_1 = arith.constant 0 : i32
    return %c0_i32, %arg0, %c0_i32_0 : i32, i32, i32
  }
  func.func @transform_1(%arg0: i32) -> (i32, i32) {
    %c0_i32 = arith.constant 0 : i32
    %c0_i32_0 = arith.constant 0 : i32
    return %arg0, %c0_i32 : i32, i32
  }
  func.func @transform_2(%arg0: i32) -> (i32, i32) {
    %c0_i32 = arith.constant 0 : i32
    %c0_i32_0 = arith.constant 0 : i32
    return %arg0, %c0_i32 : i32, i32
  }
  func.func @transform_3(%arg0: i32) -> (i32, i32) {
    %c0_i32 = arith.constant 0 : i32
    %c0_i32_0 = arith.constant 0 : i32
    %c0_i32_1 = arith.constant 0 : i32
    return %c0_i32, %c0_i32_0 : i32, i32
  }
  func.func @transform_4(%arg0: i32) -> (i32, i32) {
    %c0_i32 = arith.constant 0 : i32
    %c0_i32_0 = arith.constant 0 : i32
    %c0_i32_1 = arith.constant 0 : i32
    return %c0_i32, %c0_i32_0 : i32, i32
  }
  func.func @transform_5(%arg0: i32) -> (i32, i32) {
    %c0_i32 = arith.constant 0 : i32
    %c0_i32_0 = arith.constant 0 : i32
    %c0_i32_1 = arith.constant 0 : i32
    return %c0_i32, %c0_i32_0 : i32, i32
  }
  func.func @transform_6(%arg0: i32) -> (i32, i32) {
    %c0_i32 = arith.constant 0 : i32
    %c0_i32_0 = arith.constant 0 : i32
    return %arg0, %c0_i32 : i32, i32
  }
}

</mosaic_0001>

<sc_bundles>
// kernel: kernel.11.cloned.1.call-start
scs
__scs_entry_jumppad:
0x0: {  	(pc) =	sbr.rel $0x88, $3  }
0x1: {  	(tag) =	ssettag $0x0;
	lr =	simm.s32 $0x1  }
0x2: {  	[smem:$0x3F8F] =	sst lr;
	_ =	strace $0xD0000000  }
0x3: {  	_ = 	snop  }
0x4: {  	_ = 	snop  }
0x5: {  	_ = 	snop  }
0x6: {  	_ = 	snop  }
0x7: {  	_ = 	snop  }
__scs_overlays_trampoline_lowered:
0x8: {  	[smem:$0x3F9E] =	sst s0  }
0x9: {  	[smem:$0x3F9F] =	sst s1  }
0xa: {  	[smem:$0x3FA0] =	sst s2  }
0xb: {  	[smem:$0x3FA1] =	sst s3  }
0xc: {  	[smem:$0x3FA2] =	sst s4  }
0xd: {  	[smem:$0x3FA3] =	sst s5  }
0xe: {  	[smem:$0x3FA4] =	sst s6  }
0xf: {  	[smem:$0x3FA5] =	sst s7  }
0x10: {  	[smem:$0x3FA6] =	sst s8  }
0x11: {  	[smem:$0x3FA7] =	sst s9;
	s0 =	simm.s32 @!p0 $0x0  }
0x12: {  	s1 =	sld [smem:$0x3F8D];
	s0 =	simm.s32 @p0 $0x1  }
0x13: {  	[smem:$0x3FA8] =	sst s0;
	s0 =	simm.s32 @!p1 $0x0  }
0x14: {  	s2 =	sld [smem:$0x3F8C];
	s0 =	simm.s32 @p1 $0x1  }
0x15: {  	[smem:$0x3FA9] =	sst s0;
	s0 =	simm.s32 @!p2 $0x0  }
0x16: {  	s3 =	sld [smem:$0x3FDB];
	s0 =	simm.s32 @p2 $0x1  }
0x17: {  	s4 =	simm.s32 $0x1BF5;
	[smem:$0x3FAB] =	sst s0  }
0x18: {  	s0 =	sld [smem:$0x3F8E];
	_ =	swait.ge [sflag:s4], $0x0  }
0x19: {  	s7 =	sld [smem:$0x3F8F]  }
0x1a: {  	s8 =	sadd.s32 $0xFFFFE003, lr  }
0x1b: {  	s9 =	sadd.s32 $0xFFFFFEF7, lr;
	s5 =	simm.s32 $0xFFFFFFFF;
	p2 =	slt.u32 s8, $0xFFFFF086  }
0x1c: {  	p1 =	slt.u32 s9, $0xF7A;
	s5 =	simm.s32 @!p2 $0x0  }
0x1d: {  	s5 =	simm.s32 @p1 $0x1;
	p0 =	seq.s32 s7, s2  }
0x1e: {  	s7 =	smul.u32 @!p0 $0xF7A, s2;
	p2 =	seq.s32 @!p0 s5, $0x0  }
0x1f: {  	s9 =	smul.u32 $0xF7A, s1;
	s8 =	simm.s32 @!p0 $0x1BF5;
	p2 =	por !p2, p0  }
0x20: {  	[sflag:s8] =	ssyncset.s32 @!p0 $0xFFFFF086;
	s6 =	sadd.s32 @!p0 s3, s7;
	s7 =	simm.s32 @!p0 $0x108  }
0x21: {  	s3 =	sadd.s32 s3, s9;
	s6 =	sadd.s32 @!p0 $0x88, s6;
	s7 =	simm.s32 @p2 $0x1082  }
0x22: {  	[simem:s7], [sflag:s8] =	dma.local @!p0 [hbm:s6], $0xF7A  }
0x23: {  	s9 =	sor.u32 $0xD0000000, s2;
	s6 =	simm.s32 $0x108;
	_ =	swait.ge @!p0 [sflag:s8], $0x0  }
0x24: {  	s3 =	sadd.s32 $0x88, s3;
	s6 =	simm.s32 @!p1 $0x1082;
	[sflag:s4] =	ssyncset.s32 $0xFFFFF086  }
0x25: {  	[simem:s6], [sflag:s4] =	dma.local [hbm:s3], $0xF7A  }
0x26: {  	[smem:$0x3F8F] =	sst s1;
	(tag) =	ssettag s2;
	_ =	strace s9  }
0x27: {  	s1 =	sld [smem:$0x3F9F]  }
0x28: {  	s2 =	sld [smem:$0x3FA0]  }
0x29: {  	s4 =	sld [smem:$0x3FA2]  }
0x2a: {  	p0 =	seq.s32 s5, $0x0;
	s5 =	sld [smem:$0x3FA3]  }
0x2b: {  	s6 =	sld [smem:$0x3FA4]  }
0x2c: {  	s7 =	sld [smem:$0x3FA5]  }
0x2d: {  	s3 =	simm.s32 $0x108;
	s8 =	sld [smem:$0x3FA6]  }
0x2e: {  	s3 =	simm.s32 @!p0 $0x1082;
	s9 =	sld [smem:$0x3FA7]  }
0x2f: {  	lr =	sadd.s32 s0, s3;
	s0 =	sld [smem:$0x3F9E]  }
0x30: {  	s3 =	sld [smem:$0x3FA1]  }
0x31: {  	[smem:$0x3FAA] =	sst s10  }
0x32: {  	s10 =	sld [smem:$0x3FA8];
	_ =	sdelay $0x3  }
0x33: {  	p0 =	seq.s32 s10, $0x1;
	s10 =	sld [smem:$0x3FAA];
	_ =	sdelay $0x3  }
0x34: {  	[smem:$0x3FAA] =	sst s10  }
0x35: {  	s10 =	sld [smem:$0x3FA9];
	_ =	sdelay $0x3  }
0x36: {  	p1 =	seq.s32 s10, $0x1;
	s10 =	sld [smem:$0x3FAA];
	_ =	sdelay $0x3  }
0x37: {  	[smem:$0x3FAA] =	sst s10  }
0x38: {  	s10 =	sld [smem:$0x3FAB]  }
0x39: {  	_ = 	snop;
	(pc) =	sbr.ind lr, $3  }
0x3a: {  	_ = 	snop  }
0x3b: {  	_ = 	snop  }
0x3c: {  	p2 =	seq.s32 s10, $0x1;
	s10 =	sld [smem:$0x3FAA]  }
0x3d: {  	_ =	shalt  }
0x3e: {  	_ =	shalt  }
0x3f: {  	_ =	shalt  }
0x40: {  	_ =	shalt  }
0x41: {  	_ =	shalt  }
0x42: {  	_ =	shalt  }
0x43: {  	_ =	shalt  }
0x44: {  	_ =	shalt  }
0x45: {  	_ =	shalt  }
0x46: {  	_ =	shalt  }
0x47: {  	_ =	shalt  }
0x48: {  	_ =	shalt  }
0x49: {  	_ =	shalt  }
0x4a: {  	_ =	shalt  }
0x4b: {  	_ =	shalt  }
0x4c: {  	_ =	shalt  }
0x4d: {  	_ =	shalt  }
0x4e: {  	_ =	shalt  }
0x4f: {  	_ =	shalt  }
0x50: {  	_ =	shalt  }
0x51: {  	_ =	shalt  }
0x52: {  	_ =	shalt  }
0x53: {  	_ =	shalt  }
0x54: {  	_ =	shalt  }
0x55: {  	_ =	shalt  }
0x56: {  	_ =	shalt  }
0x57: {  	_ =	shalt  }
0x58: {  	_ =	shalt  }
0x59: {  	_ =	shalt  }
0x5a: {  	_ =	shalt  }
0x5b: {  	_ =	shalt  }
0x5c: {  	_ =	shalt  }
0x5d: {  	_ =	shalt  }
0x5e: {  	_ =	shalt  }
0x5f: {  	_ =	shalt  }
0x60: {  	_ =	shalt  }
0x61: {  	_ =	shalt  }
0x62: {  	_ =	shalt  }
0x63: {  	_ =	shalt  }
0x64: {  	_ =	shalt  }
0x65: {  	_ =	shalt  }
0x66: {  	_ =	shalt  }
0x67: {  	_ =	shalt  }
0x68: {  	_ =	shalt  }
0x69: {  	_ =	shalt  }
0x6a: {  	_ =	shalt  }
0x6b: {  	_ =	shalt  }
0x6c: {  	_ =	shalt  }
0x6d: {  	_ =	shalt  }
0x6e: {  	_ =	shalt  }
0x6f: {  	_ =	shalt  }
0x70: {  	_ =	shalt  }
0x71: {  	_ =	shalt  }
0x72: {  	_ =	shalt  }
0x73: {  	_ =	shalt  }
0x74: {  	_ =	shalt  }
0x75: {  	_ =	shalt  }
0x76: {  	_ =	shalt  }
0x77: {  	_ =	shalt  }
0x78: {  	_ =	shalt  }
0x79: {  	_ =	shalt  }
0x7a: {  	_ =	shalt  }
0x7b: {  	_ =	shalt  }
0x7c: {  	_ =	shalt  }
0x7d: {  	_ =	shalt  }
0x7e: {  	_ =	shalt  }
0x7f: {  	_ =	shalt  }
0x80: {  	_ =	shalt  }
0x81: {  	_ =	shalt  }
0x82: {  	_ =	shalt  }
0x83: {  	_ =	shalt  }
0x84: {  	_ =	shalt  }
0x85: {  	_ =	shalt  }
0x86: {  	_ =	shalt  }
0x87: {  	_ =	shalt  }
.Lfunc_end0:
.L_simem_size_0:
called_computation.1_lowered:
.L_overlay_start_0:
0x88: {  	s2 =	sld [smem:$0x3FD9]  }
0x89: {  	s3 =	sld [smem:$0x3FFE];
	_ =	sdelay $0x1  }
0x8a: {  	s1 =	srdreg.scid  }
0x8b: {  	s0 =	sand.u32 $0x1, s1  }
0x8c: {  	s17 =	sshll.u32 s0, $0xA;
	s2 =	sadd.s32 s3, s2  }
0x8d: {  	s2 =	sadd.s32 s2, s17  }
0x8e: {  	[smem:$0x3FB6] =	sst s2  }
0x8f: {  	_ = 	snop  }
0x90: {  	s2 =	sld [smem:$0x3FD0];
	(tm) =	ssettm $0x1  }
0x91: {  	s18 =	sld [smem:$0x3FFB];
	_ =	sdelay $0x3  }
0x92: {  	_ =	strace s18  }
0x93: {  	s3 =	sld [smem:$0x3FFC];
	_ =	sdelay $0x3  }
0x94: {  	_ =	strace s3  }
0x95: {  	s3 =	sld [smem:$0x3FFD];
	_ =	sdelay $0x3  }
0x96: {  	_ =	strace s3  }
0x97: {  	_ =	strace $0x8FFFFFFF  }
0x98: {  	s19 =	sld [smem:$0x3FDB];
	_ =	sdelay $0x1  }
0x99: {  	s4 =	simm.s32 $_scs_section_size  }
0x9a: {  	s5 =	simm.s32 $_size__tile_overlayer_lowered;
	s6 =	simm.s32 $_tile_overlayer_lowered  }
0x9b: {  	s22 =	simm.s32 $0x1BFF;
	s21 =	sshll.u32 s6, $0x1;
	s3 =	sadd.s32 s4, s19  }
0x9c: {  	s7 =	simm.s32 $0x0;
	s20 =	sshll.u32 s5, $0x1;
	s5 =	sadd.s32 s21, s3  }
0x9d: {  	[timem:s7], [sflag:s22] =	dma.local [hbm:s5], s20  }
0x9e: {  	_ =	swait.ge [sflag:s22], s20  }
0x9f: {  	s4 =	ssub.s32 $0x0, s20;
	[sflag:s22] =	ssyncset.done $0x0  }
0xa0: {  	[sflag:s22] =	ssyncadd.s32 s4;
	_ =	sdelay $0x1  }
0xa1: {  	s23 =	simm.s32 $0x1B8B  }
0xa2: {  	_ =	swait.ge [sflag:s23], $0x1  }
0xa3: {  	[sflag:s23] =	ssyncset.done $0x0  }
0xa4: {  	s25 =	simm.s32 $0x1B8E;
	s24 =	sld [smem:$0x3FFE];
	[sflag:s23] =	ssyncadd.s32 $0xFFFFFFFF  }
0xa5: {  	s26 =	simm.s32 $execute0_lowered;
	[smem:$0x3FD2] =	sst s25  }
0xa6: {  	s5 =	sshll.u32 s26, $0x1;
	_ =	strace $0x80000049;
	[dreg:$0x1] =	wrdreg $0xFFFFFFFF  }
0xa7: {  	s28 =	simm.s32 $_size_execute0_lowered;
	s3 =	sadd.s32 s3, s5;
	[dreg:$0x0] =	wrdreg $0x0  }
0xa8: {  	s5 =	sshll.u32 s28, $0x1;
	[dreg:$0x2] =	wrdreg s3  }
0xa9: {  	[dreg:$0x3] =	wrdreg s5  }
0xaa: {  	[dreg:$0x4] =	wrdreg $0xC0  }
0xab: {  	_ =	task [dreg:s7], $0x5FFFF  }
0xac: {  	[dreg:$0x1] =	wrdreg $0xFFFFFFFF  }
0xad: {  	[dreg:$0x0] =	wrdreg $0x60  }
0xae: {  	[dreg:$0x2] =	wrdreg s2  }
0xaf: {  	[dreg:$0x3] =	wrdreg s24  }
0xb0: {  	[dreg:$0x4] =	wrdreg $0xB8000  }
0xb1: {  	[dreg:$0x5] =	wrdreg $0x9  }
0xb2: {  	_ =	task.clear_ibuf [dreg:s7], $0x6FFFF;
	_ =	strace $0x90000049  }
0xb3: {  	s29 =	simm.s32 $0x9;
	_ =	strace $0x8000004B  }
0xb4: {  	_ =	swait.ge [sflag:s29], $0x1  }
0xb5: {  	[sflag:s29] =	ssyncadd.s32 $0xFFFFFFFF  }
0xb6: {  	_ =	strace $0x9000004B  }
0xb7: {  	_ =	sfence  }
0xb8: {  	s30 =	sld [smem:$0x0];
	_ =	sdelay $0x2  }
0xb9: {  	s31 =	sshll.u32 s1, $0xD;
	s1 =	sshrl.u32 s1, $0x2  }
0xba: {  	s3 =	sand.u32 $0x4000, s31;
	s1 =	sadd.s32 s1, s30  }
0xbb: {  	s0 =	sor.u32 s3, s0;
	s1 =	sshll.u32 s1, $0x11  }
0xbc: {  	s0 =	sor.u32 s1, s0  }
0xbd: {  	s0 =	sadd.s32 $0x8F2B, s0  }
0xbe: {  	[sflag:s0] =	ssyncadd.remote.s32 $0x1  }
0xbf: {  	_ =	sfence.sel $0xFFFF  }
0xc0: {  	[dreg:$0x0] =	wrdreg $0xFFFFFFFF;
	(pc) =	sbr.abs _section_cstart, $3  }
0xc1: {  	[dreg:$0x1] =	wrdreg $0xFFFFFFFF  }
0xc2: {  	_ =	task.clear_ibuf [dreg:s7], $0x2FFFF;
	_ =	strace $0x9FFFFFFF  }
0xc3: {  	(tm) =	ssettm $0x7FFFFFFF  }
tec
execute0_lowered:
.L_overlay_start_1:
0x0: {  	(tag) =	ssettag $0x1  }
0x1: {  	s1 =	rddreg [dreg:$0x0]  }
0x2: {  	s0 =	srdreg.scid;
	s6 =	rddreg [dreg:$0x1]  }
0x3: {  	s3 =	rddreg [dreg:$0x2];
	s4 =	simm.s32 $0x0;
	s13 =	simm.s32 $0x2800  }
0x4: {  	s16 =	simm.s32 $0x50;
	s17 =	simm.s32 $0x6800;
	s18 =	simm.s32 $0x9000  }
0x5: {  	s19 =	simm.s32 $0x1;
	s20 =	simm.s32 $0x2;
	s21 =	simm.s32 $0x6700  }
0x6: {  	s22 =	simm.s32 $0x6780;
	s5 =	sand.u32 $0x1, s0;
	s0 =	stileid.u32  }
0x7: {  	s23 =	simm.s32 $0x0;
	[smem:$0x7FF] =	sst s4;
	s30 =	smul.u32 $0x13C00, s0  }
0x8: {  	s2 =	sshll.u32 s5, $0x4;
	s9 =	sshll.u32 s0, $0x7;
	s10 =	smul.u32 $0x13C000, s5  }
0x9: {  	s5 =	ssub.s32 $0x2, s5;
	s31 =	smul.u32 $0x4F000, s0;
	s14 =	sshll.u32 s0, $0x6  }
0xa: {  	s7 =	sor.u32 s0, s2;
	s2 =	rddreg [dreg:$0x3];
	s9 =	sand.u32 $0x380, s9  }
0xb: {  	_ =	strace $0x8000004A;
	s12 =	sshrl.u32 s5, $0x1;
	s8 =	sshrl.u32 s7, $0x3  }
0xc: {  	s14 =	sor.u32 $0x1C03, s14;
	s7 =	sshll.u32 s7, $0xB;
	s8 =	smul.u32 $0x14000, s8  }
0xd: {  	s11 =	sshrl.u32 s30, $0x3;
	s12 =	ssub.s32 s5, s12;
	s7 =	sadd.s32 s7, s6  }
0xe: {  	s11 =	sadd.s32 s11, s6;
	s8 =	sor.u32 s9, s8;
	s9 =	sadd.s32 s30, s10  }
0xf: {  	s10 =	sshrl.u32 s31, $0x2;
	s8 =	sshrl.u32 s8, $0x3;
	s9 =	sshrl.u32 s9, $0x3  }
0x10: {  	s15 =	sadd.s32 s10, s3;
	s10 =	simm.s32 $0x80;
	s8 =	sadd.s32 s8, s6  }
0x11: {  	s9 =	sadd.s32 s9, s6;
	s6 =	sadd.s32 $0x3800, s7;
	s7 =	sadd.s32 $0x13800, s11  }
0x12: {  	s11 =	simm.s32 $0x400;
	s15 =	sshrl.u32 s15, $0x3;
	s5 =	sadd.s32 $0x8A000, s8  }
0x13: {  	s8 =	sadd.s32 $0x3B000, s9;
	s9 =	smax.u32 s12, $0x1;
	s12 =	simm.s32 $0x3  }
.LBB2_1:
0x14: {  	[tilespmem:s4], [sflag:$0x3] =	stream.strided.gather [hbm4b:s5+s10], $0x2800, s11, s10, $0x38;
	[tilespmem:$0x1F400] =	vst v63  }
0x15: {  	_ =	swait.ge [sflag:s12], $0x2800  }
0x16: {  	[sflag:s12] =	ssyncset.done $0x0  }
0x17: {  	[sflag:s12] =	ssyncadd.s32 $0xFFFFD800  }
0x18: {  	[tilespmem:s13], [sflag:$0x3] =	stream.linear.gather [hbm4b:s6+s4], $0x4000, $0x38;
	[tilespmem:$0x1F400] =	vst v63  }
0x19: {  	_ =	swait.ge [sflag:s12], $0x4000  }
0x1a: {  	[sflag:s12] =	ssyncset.done $0x0  }
0x1b: {  	[sflag:s12] =	ssyncadd.s32 $0xFFFFC000  }
0x1c: {  	[spmem:s15], [sflag:s14] =	dma.local [hbm:s7], $0x2780  }
0x1d: {  	_ =	swait.ge [sflag:s12], $0x2780  }
0x1e: {  	[sflag:s12] =	ssyncset.done $0x0  }
0x1f: {  	[sflag:s12] =	ssyncadd.s32 $0xFFFFD880  }
0x20: {  	[bflag:$0x0] =	sbarrier.arrive $0xFFFF  }
0x21: {  	[tilespmem:s17], [sflag:$0x1] =	stream.indirect.gather [hbm4b:s1+s16], $0x80, s4, s16, $0xb8;
	[tilespmem:$0x1F400] =	vst v63  }
0x22: {  	_ = 	snop  }
0x23: {  	[tilespmem:s18], [sflag:$0x2] =	stream.indirect.gather [hbm4b:s1+s16], $0x80, s16, s16, $0xb8;
	[tilespmem:$0x1F400] =	vst v63  }
0x24: {  	_ =	swait.ge [sflag:s19], $0x2800  }
0x25: {  	[sflag:s19] =	ssyncset.done $0x0  }
0x26: {  	s24 =	simm.s32 $0x2800;
	[sflag:s19] =	ssyncadd.s32 $0xFFFFD800  }
0x27: {  	[spmem:s3] =	stream.indirect.scatter.add.f32 [tilespmem:s17], [sflag:$0x3], $0x80, s24, s16, $0xb8;
	[tilespmem:$0x1F400] =	vst v63  }
0x28: {  	_ =	swait.ge [sflag:s12], $0x2800  }
0x29: {  	[sflag:s12] =	ssyncset.done $0x0  }
0x2a: {  	s30 =	simm.s32 $0xA0;
	[sflag:s12] =	ssyncadd.s32 $0xFFFFD800  }
0x2b: {  	[tilespmem:s17], [sflag:$0x1] =	stream.indirect.gather [hbm4b:s1+s16], $0x80, s30, s16, $0xb8;
	[tilespmem:$0x1F400] =	vst v63  }
0x2c: {  	_ =	swait.ge [sflag:s20], $0x2800  }
0x2d: {  	[sflag:s20] =	ssyncset.done $0x0  }
0x2e: {  	s31 =	simm.s32 $0x2880;
	[sflag:s20] =	ssyncadd.s32 $0xFFFFD800  }
0x2f: {  	[spmem:s3] =	stream.indirect.scatter.add.f32 [tilespmem:s18], [sflag:$0x3], $0x80, s31, s16, $0xb8;
	[tilespmem:$0x1F400] =	vst v63  }
0x30: {  	_ =	swait.ge [sflag:s12], $0x2800  }
0x31: {  	s25 =	simm.s32 $0x400;
	[sflag:s12] =	ssyncset.done $0x0  }
0x32: {  	s26 =	simm.s32 $0x190;
	s24 =	simm.s32 $0xF0;
	[sflag:s12] =	ssyncadd.s32 $0xFFFFD800  }
.LBB2_2:
0x33: {  	[tilespmem:s18], [sflag:$0x2] =	stream.indirect.gather [hbm4b:s1+s16], $0x80, s24, s16, $0xb8;
	[tilespmem:$0x1F400] =	vst v63  }
0x34: {  	s28 =	smov.u32 s25;
	s24 =	smov.u32 s26  }
0x35: {  	p0 =	sne.s32 s25, $0xF800;
	s25 =	sadd.s32 $0x400, s25;
	_ =	swait.ge [sflag:s19], $0x2800  }
0x36: {  	s28 =	sshra.s32 s28, $0x2;
	[sflag:s19] =	ssyncset.done $0x0  }
0x37: {  	s29 =	sadd.s32 $0x2800, s28;
	[sflag:s19] =	ssyncadd.s32 $0xFFFFD800  }
0x38: {  	[spmem:s3] =	stream.indirect.scatter.add.f32 [tilespmem:s17], [sflag:$0x3], $0x80, s29, s16, $0xb8;
	[tilespmem:$0x1F400] =	vst v63  }
0x39: {  	_ =	swait.ge [sflag:s12], $0x2800  }
0x3a: {  	[sflag:s12] =	ssyncset.done $0x0  }
0x3b: {  	s29 =	sadd.s32 $0xFFFFFFB0, s26;
	[sflag:s12] =	ssyncadd.s32 $0xFFFFD800  }
0x3c: {  	[tilespmem:s17], [sflag:$0x1] =	stream.indirect.gather [hbm4b:s1+s16], $0x80, s29, s16, $0xb8;
	[tilespmem:$0x1F400] =	vst v63  }
0x3d: {  	_ =	swait.ge [sflag:s20], $0x2800  }
0x3e: {  	[sflag:s20] =	ssyncset.done $0x0  }
.Ltmp0:
0x3f: {  	s28 =	sadd.s32 $0x2880, s28;
	[sflag:s20] =	ssyncadd.s32 $0xFFFFD800;
	(pc) =	sbr.rel @p0 .LBB2_2-.Ltmp0, $4  }
0x40: {  	[spmem:s3] =	stream.indirect.scatter.add.f32 [tilespmem:s18], [sflag:$0x3], $0x80, s28, s16, $0xb8;
	[tilespmem:$0x1F400] =	vst v63  }
0x41: {  	_ =	swait.ge [sflag:s12], $0x2800  }
0x42: {  	[sflag:s12] =	ssyncset.done $0x0  }
0x43: {  	s26 =	sadd.s32 $0xA0, s26;
	[sflag:s12] =	ssyncadd.s32 $0xFFFFD800  }
0x44: {  	[tilespmem:s18], [sflag:$0x2] =	stream.indirect.gather [hbm4b:s1+s16], $0x80, s24, s16, $0xb8;
	[tilespmem:$0x1F400] =	vst v63  }
0x45: {  	_ =	swait.ge [sflag:s19], $0x2800  }
0x46: {  	[sflag:s19] =	ssyncset.done $0x0  }
0x47: {  	[sflag:s19] =	ssyncadd.s32 $0xFFFFD800  }
0x48: {  	[spmem:s3] =	stream.indirect.scatter.add.f32 [tilespmem:s17], [sflag:$0x3], $0x80, s21, s16, $0xb8;
	[tilespmem:$0x1F400] =	vst v63  }
0x49: {  	_ =	swait.ge [sflag:s12], $0x2800  }
0x4a: {  	[sflag:s12] =	ssyncset.done $0x0  }
0x4b: {  	[sflag:s12] =	ssyncadd.s32 $0xFFFFD800  }
0x4c: {  	_ =	swait.ge [sflag:s20], $0x2800  }
0x4d: {  	[sflag:s20] =	ssyncset.done $0x0  }
0x4e: {  	[sflag:s20] =	ssyncadd.s32 $0xFFFFD800  }
0x4f: {  	[spmem:s3] =	stream.indirect.scatter.add.f32 [tilespmem:s18], [sflag:$0x3], $0x80, s22, s16, $0xb8;
	[tilespmem:$0x1F400] =	vst v63  }
0x50: {  	_ =	swait.ge [sflag:s12], $0x2800  }
0x51: {  	s23 =	sadd.s32 $0x1, s23;
	[sflag:s12] =	ssyncset.done $0x0  }
0x52: {  	p0 =	sne.s32 s23, s9;
	[sflag:s12] =	ssyncadd.s32 $0xFFFFD800  }
.Ltmp1:
0x53: {  	[bflag:$0x0] =	sbarrier.arrive $0xFFFF;
	(pc) =	sbr.rel @p0 .LBB2_1-.Ltmp1, $4  }
0x54: {  	[hbm:s8], [sflag:s14] =	dma.local [spmem:s15], $0x2780  }
0x55: {  	_ =	swait.ge [sflag:s12], $0x2780  }
0x56: {  	[sflag:s12] =	ssyncset.done $0x0  }
0x57: {  	[sflag:s12] =	ssyncadd.s32 $0xFFFFD880  }
0x58: {  	_ =	sfence.sel $0x180000  }
0x59: {  	[bflag:$0x0] =	sbarrier.arrive $0xFFFF  }
0x5a: {  	p0 =	sne.s32 s0, $0x0;
	_ =	strace $0x9000004A  }
0x5b: {  	s0 =	sadd.s32 @!p0 $0x100000, s2;
	[bflag:$0x2] =	sbarrier.arrive $0xFFFF  }
0x5c: {  	[sflag:s0] =	ssyncadd.tile.s32 @!p0 $0x1;
	_ =	shalt  }
.Lfunc_end2:
_tile_overlayer_lowered:
.L_overlay_start_2:
0x5d: {  	(tag) =	ssettag $0x2  }
0x5e: {  	s0 =	rddreg [dreg:$0x0];
	s2 =	stileid.u32  }
0x5f: {  	s1 =	rddreg [dreg:$0x1];
	p0 =	sne.s32 s2, $0x0  }
0x60: {  	s3 =	rddreg [dreg:$0x2];
	[bflag:$0x3] =	sbarrier.arrive $0xFFFF;
	s2 =	simm.s32 @!p0 $0x1C03  }
0x61: {  	[timem:s3], [sflag:s2] =	dma.local @!p0 [hbm:s0], s1  }
0x62: {  	s0 =	simm.s32 @!p0 $0x3  }
0x63: {  	_ =	swait.ge @!p0 [sflag:s0], s1  }
0x64: {  	s1 =	ssub.s32 @!p0 $0x0, s1;
	[sflag:s0] =	ssyncset.done @!p0 $0x0  }
0x65: {  	[sflag:s0] =	ssyncadd.s32 @!p0 s1  }
0x66: {  	[bflag:$0x3] =	sbarrier.arrive $0xFFFF  }
0x67: {  	_ =	shalt  }

// kernel: kernel.14.cloned.1.call-start
scs
__scs_entry_jumppad:
0x0: {  	(pc) =	sbr.rel $0x88, $3  }
0x1: {  	(tag) =	ssettag $0x0;
	lr =	simm.s32 $0x1  }
0x2: {  	[smem:$0x3F8F] =	sst lr;
	_ =	strace $0xD0000000  }
0x3: {  	_ = 	snop  }
0x4: {  	_ = 	snop  }
0x5: {  	_ = 	snop  }
0x6: {  	_ = 	snop  }
0x7: {  	_ = 	snop  }
__scs_overlays_trampoline_lowered:
0x8: {  	[smem:$0x3F9E] =	sst s0  }
0x9: {  	[smem:$0x3F9F] =	sst s1  }
0xa: {  	[smem:$0x3FA0] =	sst s2  }
0xb: {  	[smem:$0x3FA1] =	sst s3  }
0xc: {  	[smem:$0x3FA2] =	sst s4  }
0xd: {  	[smem:$0x3FA3] =	sst s5  }
0xe: {  	[smem:$0x3FA4] =	sst s6  }
0xf: {  	[smem:$0x3FA5] =	sst s7  }
0x10: {  	[smem:$0x3FA6] =	sst s8  }
0x11: {  	[smem:$0x3FA7] =	sst s9;
	s0 =	simm.s32 @!p0 $0x0  }
0x12: {  	s1 =	sld [smem:$0x3F8D];
	s0 =	simm.s32 @p0 $0x1  }
0x13: {  	[smem:$0x3FA8] =	sst s0;
	s0 =	simm.s32 @!p1 $0x0  }
0x14: {  	s2 =	sld [smem:$0x3F8C];
	s0 =	simm.s32 @p1 $0x1  }
0x15: {  	[smem:$0x3FA9] =	sst s0;
	s0 =	simm.s32 @!p2 $0x0  }
0x16: {  	s3 =	sld [smem:$0x3FDB];
	s0 =	simm.s32 @p2 $0x1  }
0x17: {  	s4 =	simm.s32 $0x1BF5;
	[smem:$0x3FAB] =	sst s0  }
0x18: {  	s0 =	sld [smem:$0x3F8E];
	_ =	swait.ge [sflag:s4], $0x0  }
0x19: {  	s7 =	sld [smem:$0x3F8F]  }
0x1a: {  	s8 =	sadd.s32 $0xFFFFE003, lr  }
0x1b: {  	s9 =	sadd.s32 $0xFFFFFEF7, lr;
	s5 =	simm.s32 $0xFFFFFFFF;
	p2 =	slt.u32 s8, $0xFFFFF086  }
0x1c: {  	p1 =	slt.u32 s9, $0xF7A;
	s5 =	simm.s32 @!p2 $0x0  }
0x1d: {  	s5 =	simm.s32 @p1 $0x1;
	p0 =	seq.s32 s7, s2  }
0x1e: {  	s7 =	smul.u32 @!p0 $0xF7A, s2;
	p2 =	seq.s32 @!p0 s5, $0x0  }
0x1f: {  	s9 =	smul.u32 $0xF7A, s1;
	s8 =	simm.s32 @!p0 $0x1BF5;
	p2 =	por !p2, p0  }
0x20: {  	[sflag:s8] =	ssyncset.s32 @!p0 $0xFFFFF086;
	s6 =	sadd.s32 @!p0 s3, s7;
	s7 =	simm.s32 @!p0 $0x108  }
0x21: {  	s3 =	sadd.s32 s3, s9;
	s6 =	sadd.s32 @!p0 $0x88, s6;
	s7 =	simm.s32 @p2 $0x1082  }
0x22: {  	[simem:s7], [sflag:s8] =	dma.local @!p0 [hbm:s6], $0xF7A  }
0x23: {  	s9 =	sor.u32 $0xD0000000, s2;
	s6 =	simm.s32 $0x108;
	_ =	swait.ge @!p0 [sflag:s8], $0x0  }
0x24: {  	s3 =	sadd.s32 $0x88, s3;
	s6 =	simm.s32 @!p1 $0x1082;
	[sflag:s4] =	ssyncset.s32 $0xFFFFF086  }
0x25: {  	[simem:s6], [sflag:s4] =	dma.local [hbm:s3], $0xF7A  }
0x26: {  	[smem:$0x3F8F] =	sst s1;
	(tag) =	ssettag s2;
	_ =	strace s9  }
0x27: {  	s1 =	sld [smem:$0x3F9F]  }
0x28: {  	s2 =	sld [smem:$0x3FA0]  }
0x29: {  	s4 =	sld [smem:$0x3FA2]  }
0x2a: {  	p0 =	seq.s32 s5, $0x0;
	s5 =	sld [smem:$0x3FA3]  }
0x2b: {  	s6 =	sld [smem:$0x3FA4]  }
0x2c: {  	s7 =	sld [smem:$0x3FA5]  }
0x2d: {  	s3 =	simm.s32 $0x108;
	s8 =	sld [smem:$0x3FA6]  }
0x2e: {  	s3 =	simm.s32 @!p0 $0x1082;
	s9 =	sld [smem:$0x3FA7]  }
0x2f: {  	lr =	sadd.s32 s0, s3;
	s0 =	sld [smem:$0x3F9E]  }
0x30: {  	s3 =	sld [smem:$0x3FA1]  }
0x31: {  	[smem:$0x3FAA] =	sst s10  }
0x32: {  	s10 =	sld [smem:$0x3FA8];
	_ =	sdelay $0x3  }
0x33: {  	p0 =	seq.s32 s10, $0x1;
	s10 =	sld [smem:$0x3FAA];
	_ =	sdelay $0x3  }
0x34: {  	[smem:$0x3FAA] =	sst s10  }
0x35: {  	s10 =	sld [smem:$0x3FA9];
	_ =	sdelay $0x3  }
0x36: {  	p1 =	seq.s32 s10, $0x1;
	s10 =	sld [smem:$0x3FAA];
	_ =	sdelay $0x3  }
0x37: {  	[smem:$0x3FAA] =	sst s10  }
0x38: {  	s10 =	sld [smem:$0x3FAB]  }
0x39: {  	_ = 	snop;
	(pc) =	sbr.ind lr, $3  }
0x3a: {  	_ = 	snop  }
0x3b: {  	_ = 	snop  }
0x3c: {  	p2 =	seq.s32 s10, $0x1;
	s10 =	sld [smem:$0x3FAA]  }
0x3d: {  	_ =	shalt  }
0x3e: {  	_ =	shalt  }
0x3f: {  	_ =	shalt  }
0x40: {  	_ =	shalt  }
0x41: {  	_ =	shalt  }
0x42: {  	_ =	shalt  }
0x43: {  	_ =	shalt  }
0x44: {  	_ =	shalt  }
0x45: {  	_ =	shalt  }
0x46: {  	_ =	shalt  }
0x47: {  	_ =	shalt  }
0x48: {  	_ =	shalt  }
0x49: {  	_ =	shalt  }
0x4a: {  	_ =	shalt  }
0x4b: {  	_ =	shalt  }
0x4c: {  	_ =	shalt  }
0x4d: {  	_ =	shalt  }
0x4e: {  	_ =	shalt  }
0x4f: {  	_ =	shalt  }
0x50: {  	_ =	shalt  }
0x51: {  	_ =	shalt  }
0x52: {  	_ =	shalt  }
0x53: {  	_ =	shalt  }
0x54: {  	_ =	shalt  }
0x55: {  	_ =	shalt  }
0x56: {  	_ =	shalt  }
0x57: {  	_ =	shalt  }
0x58: {  	_ =	shalt  }
0x59: {  	_ =	shalt  }
0x5a: {  	_ =	shalt  }
0x5b: {  	_ =	shalt  }
0x5c: {  	_ =	shalt  }
0x5d: {  	_ =	shalt  }
0x5e: {  	_ =	shalt  }
0x5f: {  	_ =	shalt  }
0x60: {  	_ =	shalt  }
0x61: {  	_ =	shalt  }
0x62: {  	_ =	shalt  }
0x63: {  	_ =	shalt  }
0x64: {  	_ =	shalt  }
0x65: {  	_ =	shalt  }
0x66: {  	_ =	shalt  }
0x67: {  	_ =	shalt  }
0x68: {  	_ =	shalt  }
0x69: {  	_ =	shalt  }
0x6a: {  	_ =	shalt  }
0x6b: {  	_ =	shalt  }
0x6c: {  	_ =	shalt  }
0x6d: {  	_ =	shalt  }
0x6e: {  	_ =	shalt  }
0x6f: {  	_ =	shalt  }
0x70: {  	_ =	shalt  }
0x71: {  	_ =	shalt  }
0x72: {  	_ =	shalt  }
0x73: {  	_ =	shalt  }
0x74: {  	_ =	shalt  }
0x75: {  	_ =	shalt  }
0x76: {  	_ =	shalt  }
0x77: {  	_ =	shalt  }
0x78: {  	_ =	shalt  }
0x79: {  	_ =	shalt  }
0x7a: {  	_ =	shalt  }
0x7b: {  	_ =	shalt  }
0x7c: {  	_ =	shalt  }
0x7d: {  	_ =	shalt  }
0x7e: {  	_ =	shalt  }
0x7f: {  	_ =	shalt  }
0x80: {  	_ =	shalt  }
0x81: {  	_ =	shalt  }
0x82: {  	_ =	shalt  }
0x83: {  	_ =	shalt  }
0x84: {  	_ =	shalt  }
0x85: {  	_ =	shalt  }
0x86: {  	_ =	shalt  }
0x87: {  	_ =	shalt  }
.Lfunc_end0:
.L_simem_size_0:
called_computation.2_lowered:
.L_overlay_start_0:
0x88: {  	s2 =	sld [smem:$0x3FD9]  }
0x89: {  	s3 =	sld [smem:$0x3FFE];
	_ =	sdelay $0x1  }
0x8a: {  	s1 =	srdreg.scid  }
0x8b: {  	s0 =	sand.u32 $0x1, s1  }
0x8c: {  	s17 =	sshll.u32 s0, $0xA;
	s2 =	sadd.s32 s3, s2  }
0x8d: {  	s2 =	sadd.s32 s2, s17  }
0x8e: {  	[smem:$0x3FB6] =	sst s2  }
0x8f: {  	_ = 	snop  }
0x90: {  	s2 =	sld [smem:$0x3FD0];
	(tm) =	ssettm $0x1  }
0x91: {  	s18 =	sld [smem:$0x3FFB];
	_ =	sdelay $0x3  }
0x92: {  	_ =	strace s18  }
0x93: {  	s3 =	sld [smem:$0x3FFC];
	_ =	sdelay $0x3  }
0x94: {  	_ =	strace s3  }
0x95: {  	s3 =	sld [smem:$0x3FFD];
	_ =	sdelay $0x3  }
0x96: {  	_ =	strace s3  }
0x97: {  	_ =	strace $0x8FFFFFFF  }
0x98: {  	s19 =	sld [smem:$0x3FDB];
	_ =	sdelay $0x1  }
0x99: {  	s4 =	simm.s32 $_scs_section_size  }
0x9a: {  	s5 =	simm.s32 $_size__tile_overlayer_lowered;
	s6 =	simm.s32 $_tile_overlayer_lowered  }
0x9b: {  	s22 =	simm.s32 $0x1BFF;
	s21 =	sshll.u32 s6, $0x1;
	s3 =	sadd.s32 s4, s19  }
0x9c: {  	s7 =	simm.s32 $0x0;
	s20 =	sshll.u32 s5, $0x1;
	s5 =	sadd.s32 s21, s3  }
0x9d: {  	[timem:s7], [sflag:s22] =	dma.local [hbm:s5], s20  }
0x9e: {  	_ =	swait.ge [sflag:s22], s20  }
0x9f: {  	s4 =	ssub.s32 $0x0, s20;
	[sflag:s22] =	ssyncset.done $0x0  }
0xa0: {  	[sflag:s22] =	ssyncadd.s32 s4;
	_ =	sdelay $0x1  }
0xa1: {  	s23 =	simm.s32 $0x1B8B  }
0xa2: {  	_ =	swait.ge [sflag:s23], $0x1  }
0xa3: {  	[sflag:s23] =	ssyncset.done $0x0  }
0xa4: {  	s25 =	simm.s32 $0x1B8E;
	s24 =	sld [smem:$0x3FFE];
	[sflag:s23] =	ssyncadd.s32 $0xFFFFFFFF  }
0xa5: {  	s26 =	simm.s32 $execute0_lowered;
	[smem:$0x3FD2] =	sst s25  }
0xa6: {  	s5 =	sshll.u32 s26, $0x1;
	_ =	strace $0x8000004C;
	[dreg:$0x1] =	wrdreg $0xFFFFFFFF  }
0xa7: {  	s28 =	simm.s32 $_size_execute0_lowered;
	s3 =	sadd.s32 s3, s5;
	[dreg:$0x0] =	wrdreg $0x0  }
0xa8: {  	s5 =	sshll.u32 s28, $0x1;
	[dreg:$0x2] =	wrdreg s3  }
0xa9: {  	[dreg:$0x3] =	wrdreg s5  }
0xaa: {  	[dreg:$0x4] =	wrdreg $0xC0  }
0xab: {  	_ =	task [dreg:s7], $0x5FFFF  }
0xac: {  	[dreg:$0x1] =	wrdreg $0xFFFFFFFF  }
0xad: {  	[dreg:$0x0] =	wrdreg $0x60  }
0xae: {  	[dreg:$0x2] =	wrdreg s2  }
0xaf: {  	[dreg:$0x3] =	wrdreg s24  }
0xb0: {  	[dreg:$0x4] =	wrdreg $0xB8000  }
0xb1: {  	[dreg:$0x5] =	wrdreg $0x9  }
0xb2: {  	_ =	task.clear_ibuf [dreg:s7], $0x6FFFF;
	_ =	strace $0x9000004C  }
0xb3: {  	s29 =	simm.s32 $0x9;
	_ =	strace $0x8000004E  }
0xb4: {  	_ =	swait.ge [sflag:s29], $0x1  }
0xb5: {  	[sflag:s29] =	ssyncadd.s32 $0xFFFFFFFF  }
0xb6: {  	_ =	strace $0x9000004E  }
0xb7: {  	_ =	sfence  }
0xb8: {  	s30 =	sld [smem:$0x0];
	_ =	sdelay $0x2  }
0xb9: {  	s31 =	sshll.u32 s1, $0xD;
	s1 =	sshrl.u32 s1, $0x2  }
0xba: {  	s3 =	sand.u32 $0x4000, s31;
	s1 =	sadd.s32 s1, s30  }
0xbb: {  	s0 =	sor.u32 s3, s0;
	s1 =	sshll.u32 s1, $0x11  }
0xbc: {  	s0 =	sor.u32 s1, s0  }
0xbd: {  	s0 =	sadd.s32 $0x8F2B, s0  }
0xbe: {  	[sflag:s0] =	ssyncadd.remote.s32 $0x1  }
0xbf: {  	_ =	sfence.sel $0xFFFF  }
0xc0: {  	[dreg:$0x0] =	wrdreg $0xFFFFFFFF;
	(pc) =	sbr.abs _section_cstart, $3  }
0xc1: {  	[dreg:$0x1] =	wrdreg $0xFFFFFFFF  }
0xc2: {  	_ =	task.clear_ibuf [dreg:s7], $0x2FFFF;
	_ =	strace $0x9FFFFFFF  }
0xc3: {  	(tm) =	ssettm $0x7FFFFFFF  }
tec
execute0_lowered:
.L_overlay_start_1:
0x0: {  	(tag) =	ssettag $0x1  }
0x1: {  	s1 =	rddreg [dreg:$0x0]  }
0x2: {  	s0 =	srdreg.scid;
	s6 =	rddreg [dreg:$0x1]  }
0x3: {  	s3 =	rddreg [dreg:$0x2];
	s4 =	simm.s32 $0x0;
	s13 =	simm.s32 $0x2800  }
0x4: {  	s16 =	simm.s32 $0x50;
	s17 =	simm.s32 $0x6800;
	s18 =	simm.s32 $0x9000  }
0x5: {  	s19 =	simm.s32 $0x1;
	s20 =	simm.s32 $0x2;
	s21 =	simm.s32 $0x6700  }
0x6: {  	s22 =	simm.s32 $0x6780;
	s5 =	sand.u32 $0x1, s0;
	s0 =	stileid.u32  }
0x7: {  	s23 =	simm.s32 $0x0;
	[smem:$0x7FF] =	sst s4;
	s30 =	smul.u32 $0x13C00, s0  }
0x8: {  	s2 =	sshll.u32 s5, $0x4;
	s9 =	sshll.u32 s0, $0x7;
	s10 =	smul.u32 $0x13C000, s5  }
0x9: {  	s5 =	ssub.s32 $0x2, s5;
	s31 =	smul.u32 $0x4F000, s0;
	s14 =	sshll.u32 s0, $0x6  }
0xa: {  	s7 =	sor.u32 s0, s2;
	s2 =	rddreg [dreg:$0x3];
	s9 =	sand.u32 $0x380, s9  }
0xb: {  	_ =	strace $0x8000004D;
	s12 =	sshrl.u32 s5, $0x1;
	s8 =	sshrl.u32 s7, $0x3  }
0xc: {  	s14 =	sor.u32 $0x1C03, s14;
	s7 =	sshll.u32 s7, $0xB;
	s8 =	smul.u32 $0x14000, s8  }
0xd: {  	s11 =	sshrl.u32 s30, $0x3;
	s12 =	ssub.s32 s5, s12;
	s7 =	sadd.s32 s7, s6  }
0xe: {  	s11 =	sadd.s32 s11, s6;
	s8 =	sor.u32 s9, s8;
	s9 =	sadd.s32 s30, s10  }
0xf: {  	s10 =	sshrl.u32 s31, $0x2;
	s8 =	sshrl.u32 s8, $0x3;
	s9 =	sshrl.u32 s9, $0x3  }
0x10: {  	s15 =	sadd.s32 s10, s3;
	s10 =	simm.s32 $0x80;
	s8 =	sadd.s32 s8, s6  }
0x11: {  	s9 =	sadd.s32 s9, s6;
	s6 =	sadd.s32 $0x3800, s7;
	s7 =	sadd.s32 $0x13800, s11  }
0x12: {  	s11 =	simm.s32 $0x400;
	s15 =	sshrl.u32 s15, $0x3;
	s5 =	sadd.s32 $0x8A000, s8  }
0x13: {  	s8 =	sadd.s32 $0x3B000, s9;
	s9 =	smax.u32 s12, $0x1;
	s12 =	simm.s32 $0x3  }
.LBB2_1:
0x14: {  	[tilespmem:s4], [sflag:$0x3] =	stream.strided.gather [hbm4b:s5+s10], $0x2800, s11, s10, $0x38;
	[tilespmem:$0x1F400] =	vst v63  }
0x15: {  	_ =	swait.ge [sflag:s12], $0x2800  }
0x16: {  	[sflag:s12] =	ssyncset.done $0x0  }
0x17: {  	[sflag:s12] =	ssyncadd.s32 $0xFFFFD800  }
0x18: {  	[tilespmem:s13], [sflag:$0x3] =	stream.linear.gather [hbm4b:s6+s4], $0x4000, $0x38;
	[tilespmem:$0x1F400] =	vst v63  }
0x19: {  	_ =	swait.ge [sflag:s12], $0x4000  }
0x1a: {  	[sflag:s12] =	ssyncset.done $0x0  }
0x1b: {  	[sflag:s12] =	ssyncadd.s32 $0xFFFFC000  }
0x1c: {  	[spmem:s15], [sflag:s14] =	dma.local [hbm:s7], $0x2780  }
0x1d: {  	_ =	swait.ge [sflag:s12], $0x2780  }
0x1e: {  	[sflag:s12] =	ssyncset.done $0x0  }
0x1f: {  	[sflag:s12] =	ssyncadd.s32 $0xFFFFD880  }
0x20: {  	[bflag:$0x0] =	sbarrier.arrive $0xFFFF  }
0x21: {  	[tilespmem:s17], [sflag:$0x1] =	stream.indirect.gather [hbm4b:s1+s16], $0x80, s4, s16, $0xb8;
	[tilespmem:$0x1F400] =	vst v63  }
0x22: {  	_ = 	snop  }
0x23: {  	[tilespmem:s18], [sflag:$0x2] =	stream.indirect.gather [hbm4b:s1+s16], $0x80, s16, s16, $0xb8;
	[tilespmem:$0x1F400] =	vst v63  }
0x24: {  	_ =	swait.ge [sflag:s19], $0x2800  }
0x25: {  	[sflag:s19] =	ssyncset.done $0x0  }
0x26: {  	s24 =	simm.s32 $0x2800;
	[sflag:s19] =	ssyncadd.s32 $0xFFFFD800  }
0x27: {  	[spmem:s3] =	stream.indirect.scatter.add.f32 [tilespmem:s17], [sflag:$0x3], $0x80, s24, s16, $0xb8;
	[tilespmem:$0x1F400] =	vst v63  }
0x28: {  	_ =	swait.ge [sflag:s12], $0x2800  }
0x29: {  	[sflag:s12] =	ssyncset.done $0x0  }
0x2a: {  	s30 =	simm.s32 $0xA0;
	[sflag:s12] =	ssyncadd.s32 $0xFFFFD800  }
0x2b: {  	[tilespmem:s17], [sflag:$0x1] =	stream.indirect.gather [hbm4b:s1+s16], $0x80, s30, s16, $0xb8;
	[tilespmem:$0x1F400] =	vst v63  }
0x2c: {  	_ =	swait.ge [sflag:s20], $0x2800  }
0x2d: {  	[sflag:s20] =	ssyncset.done $0x0  }
0x2e: {  	s31 =	simm.s32 $0x2880;
	[sflag:s20] =	ssyncadd.s32 $0xFFFFD800  }
0x2f: {  	[spmem:s3] =	stream.indirect.scatter.add.f32 [tilespmem:s18], [sflag:$0x3], $0x80, s31, s16, $0xb8;
	[tilespmem:$0x1F400] =	vst v63  }
0x30: {  	_ =	swait.ge [sflag:s12], $0x2800  }
0x31: {  	s25 =	simm.s32 $0x400;
	[sflag:s12] =	ssyncset.done $0x0  }
0x32: {  	s26 =	simm.s32 $0x190;
	s24 =	simm.s32 $0xF0;
	[sflag:s12] =	ssyncadd.s32 $0xFFFFD800  }
.LBB2_2:
0x33: {  	[tilespmem:s18], [sflag:$0x2] =	stream.indirect.gather [hbm4b:s1+s16], $0x80, s24, s16, $0xb8;
	[tilespmem:$0x1F400] =	vst v63  }
0x34: {  	s28 =	smov.u32 s25;
	s24 =	smov.u32 s26  }
0x35: {  	p0 =	sne.s32 s25, $0xF800;
	s25 =	sadd.s32 $0x400, s25;
	_ =	swait.ge [sflag:s19], $0x2800  }
0x36: {  	s28 =	sshra.s32 s28, $0x2;
	[sflag:s19] =	ssyncset.done $0x0  }
0x37: {  	s29 =	sadd.s32 $0x2800, s28;
	[sflag:s19] =	ssyncadd.s32 $0xFFFFD800  }
0x38: {  	[spmem:s3] =	stream.indirect.scatter.add.f32 [tilespmem:s17], [sflag:$0x3], $0x80, s29, s16, $0xb8;
	[tilespmem:$0x1F400] =	vst v63  }
0x39: {  	_ =	swait.ge [sflag:s12], $0x2800  }
0x3a: {  	[sflag:s12] =	ssyncset.done $0x0  }
0x3b: {  	s29 =	sadd.s32 $0xFFFFFFB0, s26;
	[sflag:s12] =	ssyncadd.s32 $0xFFFFD800  }
0x3c: {  	[tilespmem:s17], [sflag:$0x1] =	stream.indirect.gather [hbm4b:s1+s16], $0x80, s29, s16, $0xb8;
	[tilespmem:$0x1F400] =	vst v63  }
0x3d: {  	_ =	swait.ge [sflag:s20], $0x2800  }
0x3e: {  	[sflag:s20] =	ssyncset.done $0x0  }
.Ltmp0:
0x3f: {  	s28 =	sadd.s32 $0x2880, s28;
	[sflag:s20] =	ssyncadd.s32 $0xFFFFD800;
	(pc) =	sbr.rel @p0 .LBB2_2-.Ltmp0, $4  }
0x40: {  	[spmem:s3] =	stream.indirect.scatter.add.f32 [tilespmem:s18], [sflag:$0x3], $0x80, s28, s16, $0xb8;
	[tilespmem:$0x1F400] =	vst v63  }
0x41: {  	_ =	swait.ge [sflag:s12], $0x2800  }
0x42: {  	[sflag:s12] =	ssyncset.done $0x0  }
0x43: {  	s26 =	sadd.s32 $0xA0, s26;
	[sflag:s12] =	ssyncadd.s32 $0xFFFFD800  }
0x44: {  	[tilespmem:s18], [sflag:$0x2] =	stream.indirect.gather [hbm4b:s1+s16], $0x80, s24, s16, $0xb8;
	[tilespmem:$0x1F400] =	vst v63  }
0x45: {  	_ =	swait.ge [sflag:s19], $0x2800  }
0x46: {  	[sflag:s19] =	ssyncset.done $0x0  }
0x47: {  	[sflag:s19] =	ssyncadd.s32 $0xFFFFD800  }
0x48: {  	[spmem:s3] =	stream.indirect.scatter.add.f32 [tilespmem:s17], [sflag:$0x3], $0x80, s21, s16, $0xb8;
	[tilespmem:$0x1F400] =	vst v63  }
0x49: {  	_ =	swait.ge [sflag:s12], $0x2800  }
0x4a: {  	[sflag:s12] =	ssyncset.done $0x0  }
0x4b: {  	[sflag:s12] =	ssyncadd.s32 $0xFFFFD800  }
0x4c: {  	_ =	swait.ge [sflag:s20], $0x2800  }
0x4d: {  	[sflag:s20] =	ssyncset.done $0x0  }
0x4e: {  	[sflag:s20] =	ssyncadd.s32 $0xFFFFD800  }
0x4f: {  	[spmem:s3] =	stream.indirect.scatter.add.f32 [tilespmem:s18], [sflag:$0x3], $0x80, s22, s16, $0xb8;
	[tilespmem:$0x1F400] =	vst v63  }
0x50: {  	_ =	swait.ge [sflag:s12], $0x2800  }
0x51: {  	s23 =	sadd.s32 $0x1, s23;
	[sflag:s12] =	ssyncset.done $0x0  }
0x52: {  	p0 =	sne.s32 s23, s9;
	[sflag:s12] =	ssyncadd.s32 $0xFFFFD800  }
.Ltmp1:
0x53: {  	[bflag:$0x0] =	sbarrier.arrive $0xFFFF;
	(pc) =	sbr.rel @p0 .LBB2_1-.Ltmp1, $4  }
0x54: {  	[hbm:s8], [sflag:s14] =	dma.local [spmem:s15], $0x2780  }
0x55: {  	_ =	swait.ge [sflag:s12], $0x2780  }
0x56: {  	[sflag:s12] =	ssyncset.done $0x0  }
0x57: {  	[sflag:s12] =	ssyncadd.s32 $0xFFFFD880  }
0x58: {  	_ =	sfence.sel $0x180000  }
0x59: {  	[bflag:$0x0] =	sbarrier.arrive $0xFFFF  }
0x5a: {  	p0 =	sne.s32 s0, $0x0;
	_ =	strace $0x9000004D  }
0x5b: {  	s0 =	sadd.s32 @!p0 $0x100000, s2;
	[bflag:$0x2] =	sbarrier.arrive $0xFFFF  }
0x5c: {  	[sflag:s0] =	ssyncadd.tile.s32 @!p0 $0x1;
	_ =	shalt  }
.Lfunc_end2:
_tile_overlayer_lowered:
.L_overlay_start_2:
0x5d: {  	(tag) =	ssettag $0x2  }
0x5e: {  	s0 =	rddreg [dreg:$0x0];
	s2 =	stileid.u32  }
0x5f: {  	s1 =	rddreg [dreg:$0x1];
	p0 =	sne.s32 s2, $0x0  }
0x60: {  	s3 =	rddreg [dreg:$0x2];
	[bflag:$0x3] =	sbarrier.arrive $0xFFFF;
	s2 =	simm.s32 @!p0 $0x1C03  }
0x61: {  	[timem:s3], [sflag:s2] =	dma.local @!p0 [hbm:s0], s1  }
0x62: {  	s0 =	simm.s32 @!p0 $0x3  }
0x63: {  	_ =	swait.ge @!p0 [sflag:s0], s1  }
0x64: {  	s1 =	ssub.s32 @!p0 $0x0, s1;
	[sflag:s0] =	ssyncset.done @!p0 $0x0  }
0x65: {  	[sflag:s0] =	ssyncadd.s32 @!p0 s1  }
0x66: {  	[bflag:$0x3] =	sbarrier.arrive $0xFFFF  }
0x67: {  	_ =	shalt  }

// kernel: kernel.8.cloned.1.call-start
scs
__scs_entry_jumppad:
0x0: {  	(pc) =	sbr.rel $0x88, $3  }
0x1: {  	(tag) =	ssettag $0x0;
	lr =	simm.s32 $0x1  }
0x2: {  	[smem:$0x3F8F] =	sst lr;
	_ =	strace $0xD0000000  }
0x3: {  	_ = 	snop  }
0x4: {  	_ = 	snop  }
0x5: {  	_ = 	snop  }
0x6: {  	_ = 	snop  }
0x7: {  	_ = 	snop  }
__scs_overlays_trampoline_lowered:
0x8: {  	[smem:$0x3F9E] =	sst s0  }
0x9: {  	[smem:$0x3F9F] =	sst s1  }
0xa: {  	[smem:$0x3FA0] =	sst s2  }
0xb: {  	[smem:$0x3FA1] =	sst s3  }
0xc: {  	[smem:$0x3FA2] =	sst s4  }
0xd: {  	[smem:$0x3FA3] =	sst s5  }
0xe: {  	[smem:$0x3FA4] =	sst s6  }
0xf: {  	[smem:$0x3FA5] =	sst s7  }
0x10: {  	[smem:$0x3FA6] =	sst s8  }
0x11: {  	[smem:$0x3FA7] =	sst s9;
	s0 =	simm.s32 @!p0 $0x0  }
0x12: {  	s1 =	sld [smem:$0x3F8D];
	s0 =	simm.s32 @p0 $0x1  }
0x13: {  	[smem:$0x3FA8] =	sst s0;
	s0 =	simm.s32 @!p1 $0x0  }
0x14: {  	s2 =	sld [smem:$0x3F8C];
	s0 =	simm.s32 @p1 $0x1  }
0x15: {  	[smem:$0x3FA9] =	sst s0;
	s0 =	simm.s32 @!p2 $0x0  }
0x16: {  	s3 =	sld [smem:$0x3FDB];
	s0 =	simm.s32 @p2 $0x1  }
0x17: {  	s4 =	simm.s32 $0x1BF5;
	[smem:$0x3FAB] =	sst s0  }
0x18: {  	s0 =	sld [smem:$0x3F8E];
	_ =	swait.ge [sflag:s4], $0x0  }
0x19: {  	s7 =	sld [smem:$0x3F8F]  }
0x1a: {  	s8 =	sadd.s32 $0xFFFFE003, lr  }
0x1b: {  	s9 =	sadd.s32 $0xFFFFFEF7, lr;
	s5 =	simm.s32 $0xFFFFFFFF;
	p2 =	slt.u32 s8, $0xFFFFF086  }
0x1c: {  	p1 =	slt.u32 s9, $0xF7A;
	s5 =	simm.s32 @!p2 $0x0  }
0x1d: {  	s5 =	simm.s32 @p1 $0x1;
	p0 =	seq.s32 s7, s2  }
0x1e: {  	s7 =	smul.u32 @!p0 $0xF7A, s2;
	p2 =	seq.s32 @!p0 s5, $0x0  }
0x1f: {  	s9 =	smul.u32 $0xF7A, s1;
	s8 =	simm.s32 @!p0 $0x1BF5;
	p2 =	por !p2, p0  }
0x20: {  	[sflag:s8] =	ssyncset.s32 @!p0 $0xFFFFF086;
	s6 =	sadd.s32 @!p0 s3, s7;
	s7 =	simm.s32 @!p0 $0x108  }
0x21: {  	s3 =	sadd.s32 s3, s9;
	s6 =	sadd.s32 @!p0 $0x88, s6;
	s7 =	simm.s32 @p2 $0x1082  }
0x22: {  	[simem:s7], [sflag:s8] =	dma.local @!p0 [hbm:s6], $0xF7A  }
0x23: {  	s9 =	sor.u32 $0xD0000000, s2;
	s6 =	simm.s32 $0x108;
	_ =	swait.ge @!p0 [sflag:s8], $0x0  }
0x24: {  	s3 =	sadd.s32 $0x88, s3;
	s6 =	simm.s32 @!p1 $0x1082;
	[sflag:s4] =	ssyncset.s32 $0xFFFFF086  }
0x25: {  	[simem:s6], [sflag:s4] =	dma.local [hbm:s3], $0xF7A  }
0x26: {  	[smem:$0x3F8F] =	sst s1;
	(tag) =	ssettag s2;
	_ =	strace s9  }
0x27: {  	s1 =	sld [smem:$0x3F9F]  }
0x28: {  	s2 =	sld [smem:$0x3FA0]  }
0x29: {  	s4 =	sld [smem:$0x3FA2]  }
0x2a: {  	p0 =	seq.s32 s5, $0x0;
	s5 =	sld [smem:$0x3FA3]  }
0x2b: {  	s6 =	sld [smem:$0x3FA4]  }
0x2c: {  	s7 =	sld [smem:$0x3FA5]  }
0x2d: {  	s3 =	simm.s32 $0x108;
	s8 =	sld [smem:$0x3FA6]  }
0x2e: {  	s3 =	simm.s32 @!p0 $0x1082;
	s9 =	sld [smem:$0x3FA7]  }
0x2f: {  	lr =	sadd.s32 s0, s3;
	s0 =	sld [smem:$0x3F9E]  }
0x30: {  	s3 =	sld [smem:$0x3FA1]  }
0x31: {  	[smem:$0x3FAA] =	sst s10  }
0x32: {  	s10 =	sld [smem:$0x3FA8];
	_ =	sdelay $0x3  }
0x33: {  	p0 =	seq.s32 s10, $0x1;
	s10 =	sld [smem:$0x3FAA];
	_ =	sdelay $0x3  }
0x34: {  	[smem:$0x3FAA] =	sst s10  }
0x35: {  	s10 =	sld [smem:$0x3FA9];
	_ =	sdelay $0x3  }
0x36: {  	p1 =	seq.s32 s10, $0x1;
	s10 =	sld [smem:$0x3FAA];
	_ =	sdelay $0x3  }
0x37: {  	[smem:$0x3FAA] =	sst s10  }
0x38: {  	s10 =	sld [smem:$0x3FAB]  }
0x39: {  	_ = 	snop;
	(pc) =	sbr.ind lr, $3  }
0x3a: {  	_ = 	snop  }
0x3b: {  	_ = 	snop  }
0x3c: {  	p2 =	seq.s32 s10, $0x1;
	s10 =	sld [smem:$0x3FAA]  }
0x3d: {  	_ =	shalt  }
0x3e: {  	_ =	shalt  }
0x3f: {  	_ =	shalt  }
0x40: {  	_ =	shalt  }
0x41: {  	_ =	shalt  }
0x42: {  	_ =	shalt  }
0x43: {  	_ =	shalt  }
0x44: {  	_ =	shalt  }
0x45: {  	_ =	shalt  }
0x46: {  	_ =	shalt  }
0x47: {  	_ =	shalt  }
0x48: {  	_ =	shalt  }
0x49: {  	_ =	shalt  }
0x4a: {  	_ =	shalt  }
0x4b: {  	_ =	shalt  }
0x4c: {  	_ =	shalt  }
0x4d: {  	_ =	shalt  }
0x4e: {  	_ =	shalt  }
0x4f: {  	_ =	shalt  }
0x50: {  	_ =	shalt  }
0x51: {  	_ =	shalt  }
0x52: {  	_ =	shalt  }
0x53: {  	_ =	shalt  }
0x54: {  	_ =	shalt  }
0x55: {  	_ =	shalt  }
0x56: {  	_ =	shalt  }
0x57: {  	_ =	shalt  }
0x58: {  	_ =	shalt  }
0x59: {  	_ =	shalt  }
0x5a: {  	_ =	shalt  }
0x5b: {  	_ =	shalt  }
0x5c: {  	_ =	shalt  }
0x5d: {  	_ =	shalt  }
0x5e: {  	_ =	shalt  }
0x5f: {  	_ =	shalt  }
0x60: {  	_ =	shalt  }
0x61: {  	_ =	shalt  }
0x62: {  	_ =	shalt  }
0x63: {  	_ =	shalt  }
0x64: {  	_ =	shalt  }
0x65: {  	_ =	shalt  }
0x66: {  	_ =	shalt  }
0x67: {  	_ =	shalt  }
0x68: {  	_ =	shalt  }
0x69: {  	_ =	shalt  }
0x6a: {  	_ =	shalt  }
0x6b: {  	_ =	shalt  }
0x6c: {  	_ =	shalt  }
0x6d: {  	_ =	shalt  }
0x6e: {  	_ =	shalt  }
0x6f: {  	_ =	shalt  }
0x70: {  	_ =	shalt  }
0x71: {  	_ =	shalt  }
0x72: {  	_ =	shalt  }
0x73: {  	_ =	shalt  }
0x74: {  	_ =	shalt  }
0x75: {  	_ =	shalt  }
0x76: {  	_ =	shalt  }
0x77: {  	_ =	shalt  }
0x78: {  	_ =	shalt  }
0x79: {  	_ =	shalt  }
0x7a: {  	_ =	shalt  }
0x7b: {  	_ =	shalt  }
0x7c: {  	_ =	shalt  }
0x7d: {  	_ =	shalt  }
0x7e: {  	_ =	shalt  }
0x7f: {  	_ =	shalt  }
0x80: {  	_ =	shalt  }
0x81: {  	_ =	shalt  }
0x82: {  	_ =	shalt  }
0x83: {  	_ =	shalt  }
0x84: {  	_ =	shalt  }
0x85: {  	_ =	shalt  }
0x86: {  	_ =	shalt  }
0x87: {  	_ =	shalt  }
.Lfunc_end0:
.L_simem_size_0:
called_computation_lowered:
.L_overlay_start_0:
0x88: {  	s2 =	sld [smem:$0x3FD9]  }
0x89: {  	s3 =	sld [smem:$0x3FFE];
	_ =	sdelay $0x1  }
0x8a: {  	s1 =	srdreg.scid  }
0x8b: {  	s0 =	sand.u32 $0x1, s1  }
0x8c: {  	s17 =	sshll.u32 s0, $0xA;
	s2 =	sadd.s32 s3, s2  }
0x8d: {  	s2 =	sadd.s32 s2, s17  }
0x8e: {  	[smem:$0x3FB6] =	sst s2  }
0x8f: {  	_ = 	snop  }
0x90: {  	s2 =	sld [smem:$0x3FD0];
	(tm) =	ssettm $0x1  }
0x91: {  	s18 =	sld [smem:$0x3FFB];
	_ =	sdelay $0x3  }
0x92: {  	_ =	strace s18  }
0x93: {  	s3 =	sld [smem:$0x3FFC];
	_ =	sdelay $0x3  }
0x94: {  	_ =	strace s3  }
0x95: {  	s3 =	sld [smem:$0x3FFD];
	_ =	sdelay $0x3  }
0x96: {  	_ =	strace s3  }
0x97: {  	_ =	strace $0x8FFFFFFF  }
0x98: {  	s19 =	sld [smem:$0x3FDB];
	_ =	sdelay $0x1  }
0x99: {  	s4 =	simm.s32 $_scs_section_size  }
0x9a: {  	s5 =	simm.s32 $_size__tile_overlayer_lowered;
	s6 =	simm.s32 $_tile_overlayer_lowered  }
0x9b: {  	s22 =	simm.s32 $0x1BFF;
	s21 =	sshll.u32 s6, $0x1;
	s3 =	sadd.s32 s4, s19  }
0x9c: {  	s7 =	simm.s32 $0x0;
	s20 =	sshll.u32 s5, $0x1;
	s5 =	sadd.s32 s21, s3  }
0x9d: {  	[timem:s7], [sflag:s22] =	dma.local [hbm:s5], s20  }
0x9e: {  	_ =	swait.ge [sflag:s22], s20  }
0x9f: {  	s4 =	ssub.s32 $0x0, s20;
	[sflag:s22] =	ssyncset.done $0x0  }
0xa0: {  	[sflag:s22] =	ssyncadd.s32 s4;
	_ =	sdelay $0x1  }
0xa1: {  	s23 =	simm.s32 $0x1B8B  }
0xa2: {  	_ =	swait.ge [sflag:s23], $0x1  }
0xa3: {  	[sflag:s23] =	ssyncset.done $0x0  }
0xa4: {  	s25 =	simm.s32 $0x1B8E;
	s24 =	sld [smem:$0x3FFE];
	[sflag:s23] =	ssyncadd.s32 $0xFFFFFFFF  }
0xa5: {  	s26 =	simm.s32 $execute0_lowered;
	[smem:$0x3FD2] =	sst s25  }
0xa6: {  	s5 =	sshll.u32 s26, $0x1;
	_ =	strace $0x80000046;
	[dreg:$0x1] =	wrdreg $0xFFFFFFFF  }
0xa7: {  	s28 =	simm.s32 $_size_execute0_lowered;
	s3 =	sadd.s32 s3, s5;
	[dreg:$0x0] =	wrdreg $0x0  }
0xa8: {  	s5 =	sshll.u32 s28, $0x1;
	[dreg:$0x2] =	wrdreg s3  }
0xa9: {  	[dreg:$0x3] =	wrdreg s5  }
0xaa: {  	[dreg:$0x4] =	wrdreg $0xC0  }
0xab: {  	_ =	task [dreg:s7], $0x5FFFF  }
0xac: {  	[dreg:$0x1] =	wrdreg $0xFFFFFFFF  }
0xad: {  	[dreg:$0x0] =	wrdreg $0x60  }
0xae: {  	[dreg:$0x2] =	wrdreg s24  }
0xaf: {  	[dreg:$0x3] =	wrdreg s2  }
0xb0: {  	[dreg:$0x4] =	wrdreg $0x68000  }
0xb1: {  	[dreg:$0x5] =	wrdreg $0x9  }
0xb2: {  	_ =	task.clear_ibuf [dreg:s7], $0x6FFFF;
	_ =	strace $0x90000046  }
0xb3: {  	s29 =	simm.s32 $0x9;
	_ =	strace $0x80000048  }
0xb4: {  	_ =	swait.ge [sflag:s29], $0x1  }
0xb5: {  	[sflag:s29] =	ssyncadd.s32 $0xFFFFFFFF  }
0xb6: {  	_ =	strace $0x90000048  }
0xb7: {  	_ =	sfence  }
0xb8: {  	s30 =	sld [smem:$0x0];
	_ =	sdelay $0x2  }
0xb9: {  	s31 =	sshll.u32 s1, $0xD;
	s1 =	sshrl.u32 s1, $0x2  }
0xba: {  	s3 =	sand.u32 $0x4000, s31;
	s1 =	sadd.s32 s1, s30  }
0xbb: {  	s0 =	sor.u32 s3, s0;
	s1 =	sshll.u32 s1, $0x11  }
0xbc: {  	s0 =	sor.u32 s1, s0  }
0xbd: {  	s0 =	sadd.s32 $0x8F2B, s0  }
0xbe: {  	[sflag:s0] =	ssyncadd.remote.s32 $0x1  }
0xbf: {  	_ =	sfence.sel $0xFFFF  }
0xc0: {  	[dreg:$0x0] =	wrdreg $0xFFFFFFFF;
	(pc) =	sbr.abs _section_cstart, $3  }
0xc1: {  	[dreg:$0x1] =	wrdreg $0xFFFFFFFF  }
0xc2: {  	_ =	task.clear_ibuf [dreg:s7], $0x2FFFF;
	_ =	strace $0x9FFFFFFF  }
0xc3: {  	(tm) =	ssettm $0x7FFFFFFF  }
tec
execute0_lowered:
.L_overlay_start_1:
0x0: {  	(tag) =	ssettag $0x1  }
0x1: {  	s5 =	rddreg [dreg:$0x0]  }
0x2: {  	s2 =	rddreg [dreg:$0x1]  }
0x3: {  	s3 =	rddreg [dreg:$0x2]  }
0x4: {  	s0 =	rddreg [dreg:$0x3];
	s1 =	stileid.u32  }
0x5: {  	s6 =	srdreg.scid;
	s4 =	simm.s32 $0x0;
	s13 =	simm.s32 $0x50  }
0x6: {  	s14 =	simm.s32 $0x0;
	s7 =	smul.u32 $0x13C00, s1;
	s6 =	sand.u32 $0x1, s6  }
0x7: {  	[smem:$0x7FF] =	sst s4;
	s9 =	sshll.u32 s1, $0xB;
	s11 =	smul.u32 $0x4F000, s1  }
0x8: {  	s31 =	sshll.u32 s1, $0x6;
	s8 =	smul.u32 $0x13C000, s6;
	_ =	strace $0x80000047  }
0x9: {  	s9 =	sadd.s32 s9, s5;
	s26 =	ssub.s32 $0x2, s6;
	s6 =	sshll.u32 s6, $0xF  }
0xa: {  	s10 =	sshrl.u32 s7, $0x3;
	s28 =	sshrl.u32 s26, $0x1;
	s29 =	sadd.s32 s6, s9  }
0xb: {  	s30 =	sshrl.u32 s11, $0x2;
	s9 =	simm.s32 $0x1;
	s11 =	sor.u32 $0x1C01, s31  }
0xc: {  	s10 =	sadd.s32 s10, s5;
	s7 =	sadd.s32 s7, s8;
	s8 =	ssub.s32 s26, s28  }
0xd: {  	s12 =	sadd.s32 s30, s3;
	s7 =	sshrl.u32 s7, $0x3;
	s6 =	sadd.s32 $0x13800, s10  }
0xe: {  	s8 =	smax.u32 s8, $0x1;
	s10 =	simm.s32 $0x4000;
	s7 =	sadd.s32 s7, s5  }
0xf: {  	s12 =	sshrl.u32 s12, $0x3;
	s5 =	sadd.s32 $0x3800, s29;
	s7 =	sadd.s32 $0x3B000, s7  }
.LBB2_1:
0x10: {  	[tilespmem:s4], [sflag:$0x1] =	stream.linear.gather [hbm4b:s5+s4], $0x4000, $0x38;
	[tilespmem:$0x1A400] =	vst v63  }
0x11: {  	_ =	swait.ge [sflag:s9], $0x4000  }
0x12: {  	[sflag:s9] =	ssyncset.done $0x0  }
0x13: {  	[sflag:s9] =	ssyncadd.s32 $0xFFFFC000  }
0x14: {  	[tilespmem:s10], [sflag:$0x1] =	stream.linear.gather [hbm4b:s2+s4], $0x2800, $0x38;
	[tilespmem:$0x1A400] =	vst v63  }
0x15: {  	_ =	swait.ge [sflag:s9], $0x2800  }
0x16: {  	[sflag:s9] =	ssyncset.done $0x0  }
0x17: {  	[sflag:s9] =	ssyncadd.s32 $0xFFFFD800  }
0x18: {  	[spmem:s12], [sflag:s11] =	dma.local [hbm:s6], $0x2780  }
0x19: {  	_ =	swait.ge [sflag:s9], $0x2780  }
0x1a: {  	[sflag:s9] =	ssyncset.done $0x0  }
0x1b: {  	[sflag:s9] =	ssyncadd.s32 $0xFFFFD880  }
0x1c: {  	s15 =	simm.s32 $0x0;
	[bflag:$0x0] =	sbarrier.arrive $0xFFFF  }
0x1d: {  	[spmem:s3] =	stream.indirect.scatter.add.f32 [tilespmem:s10], [sflag:$0x1], $0x80, s15, s13, $0xb8;
	[tilespmem:$0x1A400] =	vst v63  }
0x1e: {  	_ =	swait.ge [sflag:s9], $0x2800  }
0x1f: {  	s15 =	simm.s32 $0x200;
	[sflag:s9] =	ssyncset.done $0x0  }
.LBB2_2:
0x20: {  	s16 =	sshra.s32 s15, $0x2;
	[sflag:s9] =	ssyncadd.s32 $0xFFFFD800;
	p0 =	sne.s32 s15, $0xFE00  }
0x21: {  	[spmem:s3] =	stream.indirect.scatter.add.f32 [tilespmem:s10], [sflag:$0x1], $0x80, s16, s13, $0xb8;
	[tilespmem:$0x1A400] =	vst v63  }
.Ltmp0:
0x22: {  	_ = 	snop;
	(pc) =	sbr.rel @p0 .LBB2_2-.Ltmp0, $4  }
0x23: {  	_ = 	snop  }
0x24: {  	s15 =	sadd.s32 $0x200, s15  }
0x25: {  	_ =	swait.ge [sflag:s9], $0x2800  }
0x26: {  	[sflag:s9] =	ssyncset.done $0x0  }
0x27: {  	s14 =	sadd.s32 $0x1, s14  }
0x28: {  	[sflag:s9] =	ssyncadd.s32 $0xFFFFD800;
	p0 =	sne.s32 s14, s8  }
.Ltmp1:
0x29: {  	[bflag:$0x0] =	sbarrier.arrive $0xFFFF;
	(pc) =	sbr.rel @p0 .LBB2_1-.Ltmp1, $4  }
0x2a: {  	[hbm:s7], [sflag:s11] =	dma.local [spmem:s12], $0x2780  }
0x2b: {  	_ =	swait.ge [sflag:s9], $0x2780  }
0x2c: {  	[sflag:s9] =	ssyncset.done $0x0  }
0x2d: {  	[sflag:s9] =	ssyncadd.s32 $0xFFFFD880  }
0x2e: {  	_ =	sfence.sel $0x180000  }
0x2f: {  	[bflag:$0x0] =	sbarrier.arrive $0xFFFF  }
0x30: {  	p0 =	sne.s32 s1, $0x0;
	_ =	strace $0x90000047  }
0x31: {  	s0 =	sadd.s32 @!p0 $0x100000, s0;
	[bflag:$0x2] =	sbarrier.arrive $0xFFFF  }
0x32: {  	[sflag:s0] =	ssyncadd.tile.s32 @!p0 $0x1;
	_ =	shalt  }
.Lfunc_end2:
_tile_overlayer_lowered:
.L_overlay_start_2:
0x33: {  	(tag) =	ssettag $0x2  }
0x34: {  	s0 =	rddreg [dreg:$0x0];
	s2 =	stileid.u32  }
0x35: {  	s1 =	rddreg [dreg:$0x1];
	p0 =	sne.s32 s2, $0x0  }
0x36: {  	s3 =	rddreg [dreg:$0x2];
	[bflag:$0x3] =	sbarrier.arrive $0xFFFF;
	s2 =	simm.s32 @!p0 $0x1C01  }
0x37: {  	[timem:s3], [sflag:s2] =	dma.local @!p0 [hbm:s0], s1  }
0x38: {  	s0 =	simm.s32 @!p0 $0x1  }
0x39: {  	_ =	swait.ge @!p0 [sflag:s0], s1  }
0x3a: {  	s1 =	ssub.s32 @!p0 $0x0, s1;
	[sflag:s0] =	ssyncset.done @!p0 $0x0  }
0x3b: {  	[sflag:s0] =	ssyncadd.s32 @!p0 s1  }
0x3c: {  	[bflag:$0x3] =	sbarrier.arrive $0xFFFF  }
0x3d: {  	_ =	shalt  }

</sc_bundles>
